<compile_context>
chip_gen: v7x
topology: tpu7x:2x2x1
jax: 0.10.2.dev20260603
libtpu: 0.0.44.dev20260713+nightly
codegen_flags: <defaults>
</compile_context>

<pallas_src>
import jax
import jax.numpy as jnp
from jax import lax
from jax.experimental import pallas as pl
from jax.experimental.pallas import tpu as pltpu
from jax.experimental.pallas import tpu_sc as plsc

F = 26
V = 100000
H = 64
B = 16384
NC = 2
NS = 16
L = 16
NW = NC * NS
BPW = B // NW
CB = 128
NCHUNK = BPW // CB

_mesh = plsc.VectorSubcoreMesh(core_axis_name="c", subcore_axis_name="s")


def _cat_sum_body(xt_hbm, tab_hbm, out_hbm,
                  xv, idxA, idxB, gbufA, gbufB, acc, semA, semB):
    wid = lax.axis_index("s") * NC + lax.axis_index("c")
    base = wid * BPW
    pltpu.sync_copy(xt_hbm.at[:, pl.ds(base, BPW)], xv)

    def chunk_body(c, carry):
        cb = c * CB

        def make_idx(f, idxv):
            for s in range(CB // L):
                xc = xv[f, pl.ds(cb + s * L, L)]
                idxv[0, pl.ds(s * L, L)] = jnp.minimum(
                    jnp.maximum(xc, 0), V - 1)

        def fire(f, idxv, gbuf, sem):
            return pltpu.async_copy(
                tab_hbm.at[f].at[idxv.at[0]], gbuf, sem)

        def wait(idxv, gbuf, sem):
            pltpu.make_async_copy(
                tab_hbm.at[0].at[idxv.at[0]], gbuf, sem).wait()

        def process(gbuf, first):
            def rbody(r, carry2):
                for cc in range(H // L):
                    g = gbuf[r, pl.ds(cc * L, L)]
                    if first:
                        acc[r, pl.ds(cc * L, L)] = g
                    else:
                        plsc.addupdate(acc.at[r, pl.ds(cc * L, L)], g)
                return carry2

            lax.fori_loop(0, CB, rbody, 0, unroll=2)

        make_idx(0, idxA)
        pltpu.async_copy(tab_hbm.at[0].at[idxA.at[0]], acc, semA).wait()
        make_idx(1, idxA)
        fire(1, idxA, gbufA, semA)
        make_idx(2, idxB)
        fire(2, idxB, gbufB, semB)
        wait(idxA, gbufA, semA)
        process(gbufA, first=False)

        def pair_body(k, carry2):
            fa = 2 * k + 3
            make_idx(fa, idxA)
            fire(fa, idxA, gbufA, semA)
            wait(idxB, gbufB, semB)
            process(gbufB, first=False)
            make_idx(fa + 1, idxB)
            fire(fa + 1, idxB, gbufB, semB)
            wait(idxA, gbufA, semA)
            process(gbufA, first=False)
            return carry2

        lax.fori_loop(0, (F - 4) // 2, pair_body, 0)
        make_idx(F - 1, idxA)
        fire(F - 1, idxA, gbufA, semA)
        wait(idxB, gbufB, semB)
        process(gbufB, first=False)
        wait(idxA, gbufA, semA)
        process(gbufA, first=False)

        pltpu.sync_copy(acc, out_hbm.at[pl.ds(base + cb, CB), :])
        return carry

    lax.fori_loop(0, NCHUNK, chunk_body, 0)


_cat_sum = pl.kernel(
    _cat_sum_body,
    out_type=jax.ShapeDtypeStruct((B, H), jnp.float32),
    mesh=_mesh,
    compiler_params=pltpu.CompilerParams(use_tc_tiling_on_sc=False),
    scratch_types=[
        pltpu.VMEM((F, BPW), jnp.int32),
        pltpu.VMEM((1, CB), jnp.int32),
        pltpu.VMEM((1, CB), jnp.int32),
        pltpu.VMEM((CB, H), jnp.float32),
        pltpu.VMEM((CB, H), jnp.float32),
        pltpu.VMEM((CB, H), jnp.float32),
        pltpu.SemaphoreType.DMA,
        pltpu.SemaphoreType.DMA,
    ],
)


def kernel(x, tables):
    xt = jnp.transpose(x.astype(jnp.int32))
    return _cat_sum(xt, tables)

# --- scband reference (transcript-rebuilt; emitter-appended) ---
"""Pipeline reference for scband-cat-sum-encoder-61229053771855 (READ-ONLY COPY).

The authoritative reference and input builder live on the scoring server;
editing this copy changes nothing except your own understanding.
"""

import jax, jax.numpy as jnp
import numpy as np

NUM_FIELDS = 26
VOCAB = 100000
HIDDEN = 64
BATCH = 16384

def setup_inputs(seed: int = 0) -> dict:
    key = jax.random.key(seed)
    k1, k2 = jax.random.split(key)
    x = jax.random.randint(k1, (BATCH, NUM_FIELDS), 0, VOCAB, dtype=jnp.int64) if jax.config.jax_enable_x64 else jax.random.randint(k1, (BATCH, NUM_FIELDS), 0, VOCAB, dtype=jnp.int32)
    # Stacked embedding tables, one per field (all cardinals equal -> [F, V, H])
    tables = jax.random.normal(k2, (NUM_FIELDS, VOCAB, HIDDEN), dtype=jnp.float32)
    return {"x": x, "tables": tables}

def reference(x, tables):
    # Faithful translation of CatSumEncoder.forward:
    # out = sum_j emb_j(clamp(x[:, j], 0, V-1))
    idx = jnp.clip(x.astype(jnp.int32), 0, VOCAB - 1)  # [B, F]
    field_ids = jnp.arange(NUM_FIELDS, dtype=jnp.int32)[None, :]  # [1, F]
    gathered = tables[field_ids, idx]  # [B, F, H] per-field embedding gather
    out = jnp.sum(gathered, axis=1)  # [B, H]
    return out

if __name__ == "__main__":
    import jax
    _d = setup_inputs()
    print(jax.jit(kernel)(*tuple(_d.values())))

</pallas_src>

<mosaic_0001>
#map = affine_map<(d0, d1) -> (0, 0)>
#map1 = affine_map<(d0, d1) -> (0, 0, 0)>
module attributes {stable_mosaic.version = 14 : i64} {
  func.func @_cat_sum_body(%arg0: i32, %arg1: i32, %arg2: memref<26x16384xi32, #tpu.memory_space<hbm>>, %arg3: memref<26x100000x64xf32, #tpu.memory_space<hbm>>, %arg4: memref<16384x64xf32, #tpu.memory_space<hbm>>, %arg5: memref<26x512xi32, #tpu.memory_space<vmem>>, %arg6: memref<1x128xi32, #tpu.memory_space<vmem>>, %arg7: memref<1x128xi32, #tpu.memory_space<vmem>>, %arg8: memref<128x64xf32, #tpu.memory_space<vmem>>, %arg9: memref<128x64xf32, #tpu.memory_space<vmem>>, %arg10: memref<128x64xf32, #tpu.memory_space<vmem>>, %arg11: memref<!tpu.dma_semaphore, #tpu.memory_space<semaphore_mem>>, %arg12: memref<!tpu.dma_semaphore, #tpu.memory_space<semaphore_mem>>) attributes {dimension_semantics = [#tpu.dimension_semantics<core_parallel>, #tpu.dimension_semantics<subcore_parallel>], iteration_bounds = array<i64: 2, 16>, scalar_prefetch = 0 : i64, scratch_operands = 8 : i64, tpu.core_type = #tpu.core_type<sc_vector_subcore>, window_params = [{transform_indices = #map}, {transform_indices = #map1}, {transform_indices = #map}]} {
    %mul3A = arith.constant 2 : i32
    %mul3A_0 = arith.muli %arg1, %mul3A : i32
    %add3A = arith.addi %mul3A_0, %arg0 : i32
    %mul3A_1 = arith.constant 512 : i32
    %mul3A_2 = arith.muli %add3A, %mul3A_1 : i32
    "tpu.region"() ({
      %run_scoped3A = tpu.sem_alloc : memref<!tpu.dma_semaphore, #tpu.memory_space<semaphore_mem>>
      %dma_start3A = arith.constant 0 : i32
      %dma_start3A_8 = tpu.memref_slice %arg2[%dma_start3A, %mul3A_2] : memref<26x16384xi32, #tpu.memory_space<hbm>> -> memref<26x512xi32, #tpu.memory_space<hbm>>
      %dma_start3A_9 = arith.constant 0 : i32
      %dma_start3A_10 = tpu.memref_slice %arg2[%dma_start3A_9, %mul3A_2] : memref<26x16384xi32, #tpu.memory_space<hbm>> -> memref<26x512xi32, #tpu.memory_space<hbm>>
      tpu.enqueue_dma source(%dma_start3A_10 : memref<26x512xi32, #tpu.memory_space<hbm>>) target(%arg5 : memref<26x512xi32, #tpu.memory_space<vmem>>) target_semaphore(%run_scoped3A : memref<!tpu.dma_semaphore, #tpu.memory_space<semaphore_mem>>)
      %dma_wait3A = arith.constant 0 : i32
      %dma_wait3A_11 = tpu.memref_slice %arg2[%dma_wait3A, %mul3A_2] : memref<26x16384xi32, #tpu.memory_space<hbm>> -> memref<26x512xi32, #tpu.memory_space<hbm>>
      %dma_wait3A_12 = arith.constant 0 : i32
      %dma_wait3A_13 = tpu.memref_slice %arg2[%dma_wait3A_12, %mul3A_2] : memref<26x16384xi32, #tpu.memory_space<hbm>> -> memref<26x512xi32, #tpu.memory_space<hbm>>
      tpu.wait_dma2 semaphore(%run_scoped3A : memref<!tpu.dma_semaphore, #tpu.memory_space<semaphore_mem>>) src(%dma_wait3A_13 : memref<26x512xi32, #tpu.memory_space<hbm>>) dst(%arg5 : memref<26x512xi32, #tpu.memory_space<vmem>>)
      tpu.yield
    }) : () -> ()
    %scan3A = arith.constant 0 : i32
    %scan3A_3 = arith.constant 0 : i32
    %scan3A_4 = arith.constant 4 : i32
    %scan3A_5 = arith.addi %scan3A_3, %scan3A_4 : i32
    %scan3A_6 = arith.constant 1 : i32
    scf.for %scan3A_8 = %scan3A_3 to %scan3A_5 step %scan3A_6  : i32 {
      %mul3A_9 = arith.constant 128 : i32
      %mul3A_10 = arith.muli %scan3A_8, %mul3A_9 : i32
      %add3A_11 = arith.constant 0 : i32
      %add3A_12 = arith.addi %mul3A_10, %add3A_11 : i32
      %get3A = arith.constant 0 : i32
      %get3A_13 = arith.index_cast %get3A : i32 to index
      %get3A_14 = arith.index_cast %add3A_12 : i32 to index
      %get3A_15 = tpu.vector_load %arg5[%get3A_13, %get3A_14] {strides = array<i32>} : memref<26x512xi32, #tpu.memory_space<vmem>>, vector<1x16xi32>,
      %get3A_16 = vector.shape_cast %get3A_15 : vector<1x16xi32> to vector<16xi32>
      %max3A = arith.constant 0 : i32
      %max3A_17 = vector.broadcast %max3A : i32 to vector<16xi32>
      %max3A_18 = arith.maxsi %get3A_16, %max3A_17 : vector<16xi32>
      %min3A = arith.constant 99999 : i32
      %min3A_19 = vector.broadcast %min3A : i32 to vector<16xi32>
      %min3A_20 = arith.minsi %max3A_18, %min3A_19 : vector<16xi32>
      %swap3A = arith.constant 0 : i32
      %swap3A_21 = arith.index_cast %swap3A : i32 to index
      %swap3A_22 = arith.constant 0 : index
      %swap3A_23 = tpu.vector_load %arg6[%swap3A_21, %swap3A_22] {strides = array<i32>} : memref<1x128xi32, #tpu.memory_space<vmem>>, vector<1x16xi32>,
      %swap3A_24 = vector.shape_cast %swap3A_23 : vector<1x16xi32> to vector<16xi32>
      %swap3A_25 = vector.shape_cast %min3A_20 : vector<16xi32> to vector<1x16xi32>
      tpu.vector_store %arg6[%swap3A_21, %swap3A_22], %swap3A_25 {strides = array<i32>} : memref<1x128xi32, #tpu.memory_space<vmem>>, vector<1x16xi32>,
      %add3A_26 = arith.constant 16 : i32
      %add3A_27 = arith.addi %mul3A_10, %add3A_26 : i32
      %get3A_28 = arith.constant 0 : i32
      %get3A_29 = arith.index_cast %get3A_28 : i32 to index
      %get3A_30 = arith.index_cast %add3A_27 : i32 to index
      %get3A_31 = tpu.vector_load %arg5[%get3A_29, %get3A_30] {strides = array<i32>} : memref<26x512xi32, #tpu.memory_space<vmem>>, vector<1x16xi32>,
      %get3A_32 = vector.shape_cast %get3A_31 : vector<1x16xi32> to vector<16xi32>
      %max3A_33 = arith.constant 0 : i32
      %max3A_34 = vector.broadcast %max3A_33 : i32 to vector<16xi32>
      %max3A_35 = arith.maxsi %get3A_32, %max3A_34 : vector<16xi32>
      %min3A_36 = arith.constant 99999 : i32
      %min3A_37 = vector.broadcast %min3A_36 : i32 to vector<16xi32>
      %min3A_38 = arith.minsi %max3A_35, %min3A_37 : vector<16xi32>
      %swap3A_39 = arith.constant 0 : i32
      %swap3A_40 = arith.index_cast %swap3A_39 : i32 to index
      %swap3A_41 = arith.constant 16 : index
      %swap3A_42 = tpu.vector_load %arg6[%swap3A_40, %swap3A_41] {strides = array<i32>} : memref<1x128xi32, #tpu.memory_space<vmem>>, vector<1x16xi32>,
      %swap3A_43 = vector.shape_cast %swap3A_42 : vector<1x16xi32> to vector<16xi32>
      %swap3A_44 = vector.shape_cast %min3A_38 : vector<16xi32> to vector<1x16xi32>
      tpu.vector_store %arg6[%swap3A_40, %swap3A_41], %swap3A_44 {strides = array<i32>} : memref<1x128xi32, #tpu.memory_space<vmem>>, vector<1x16xi32>,
      %add3A_45 = arith.constant 32 : i32
      %add3A_46 = arith.addi %mul3A_10, %add3A_45 : i32
      %get3A_47 = arith.constant 0 : i32
      %get3A_48 = arith.index_cast %get3A_47 : i32 to index
      %get3A_49 = arith.index_cast %add3A_46 : i32 to index
      %get3A_50 = tpu.vector_load %arg5[%get3A_48, %get3A_49] {strides = array<i32>} : memref<26x512xi32, #tpu.memory_space<vmem>>, vector<1x16xi32>,
      %get3A_51 = vector.shape_cast %get3A_50 : vector<1x16xi32> to vector<16xi32>
      %max3A_52 = arith.constant 0 : i32
      %max3A_53 = vector.broadcast %max3A_52 : i32 to vector<16xi32>
      %max3A_54 = arith.maxsi %get3A_51, %max3A_53 : vector<16xi32>
      %min3A_55 = arith.constant 99999 : i32
      %min3A_56 = vector.broadcast %min3A_55 : i32 to vector<16xi32>
      %min3A_57 = arith.minsi %max3A_54, %min3A_56 : vector<16xi32>
      %swap3A_58 = arith.constant 0 : i32
      %swap3A_59 = arith.index_cast %swap3A_58 : i32 to index
      %swap3A_60 = arith.constant 32 : index
      %swap3A_61 = tpu.vector_load %arg6[%swap3A_59, %swap3A_60] {strides = array<i32>} : memref<1x128xi32, #tpu.memory_space<vmem>>, vector<1x16xi32>,
      %swap3A_62 = vector.shape_cast %swap3A_61 : vector<1x16xi32> to vector<16xi32>
      %swap3A_63 = vector.shape_cast %min3A_57 : vector<16xi32> to vector<1x16xi32>
      tpu.vector_store %arg6[%swap3A_59, %swap3A_60], %swap3A_63 {strides = array<i32>} : memref<1x128xi32, #tpu.memory_space<vmem>>, vector<1x16xi32>,
      %add3A_64 = arith.constant 48 : i32
      %add3A_65 = arith.addi %mul3A_10, %add3A_64 : i32
      %get3A_66 = arith.constant 0 : i32
      %get3A_67 = arith.index_cast %get3A_66 : i32 to index
      %get3A_68 = arith.index_cast %add3A_65 : i32 to index
      %get3A_69 = tpu.vector_load %arg5[%get3A_67, %get3A_68] {strides = array<i32>} : memref<26x512xi32, #tpu.memory_space<vmem>>, vector<1x16xi32>,
      %get3A_70 = vector.shape_cast %get3A_69 : vector<1x16xi32> to vector<16xi32>
      %max3A_71 = arith.constant 0 : i32
      %max3A_72 = vector.broadcast %max3A_71 : i32 to vector<16xi32>
      %max3A_73 = arith.maxsi %get3A_70, %max3A_72 : vector<16xi32>
      %min3A_74 = arith.constant 99999 : i32
      %min3A_75 = vector.broadcast %min3A_74 : i32 to vector<16xi32>
      %min3A_76 = arith.minsi %max3A_73, %min3A_75 : vector<16xi32>
      %swap3A_77 = arith.constant 0 : i32
      %swap3A_78 = arith.index_cast %swap3A_77 : i32 to index
      %swap3A_79 = arith.constant 48 : index
      %swap3A_80 = tpu.vector_load %arg6[%swap3A_78, %swap3A_79] {strides = array<i32>} : memref<1x128xi32, #tpu.memory_space<vmem>>, vector<1x16xi32>,
      %swap3A_81 = vector.shape_cast %swap3A_80 : vector<1x16xi32> to vector<16xi32>
      %swap3A_82 = vector.shape_cast %min3A_76 : vector<16xi32> to vector<1x16xi32>
      tpu.vector_store %arg6[%swap3A_78, %swap3A_79], %swap3A_82 {strides = array<i32>} : memref<1x128xi32, #tpu.memory_space<vmem>>, vector<1x16xi32>,
      %add3A_83 = arith.constant 64 : i32
      %add3A_84 = arith.addi %mul3A_10, %add3A_83 : i32
      %get3A_85 = arith.constant 0 : i32
      %get3A_86 = arith.index_cast %get3A_85 : i32 to index
      %get3A_87 = arith.index_cast %add3A_84 : i32 to index
      %get3A_88 = tpu.vector_load %arg5[%get3A_86, %get3A_87] {strides = array<i32>} : memref<26x512xi32, #tpu.memory_space<vmem>>, vector<1x16xi32>,
      %get3A_89 = vector.shape_cast %get3A_88 : vector<1x16xi32> to vector<16xi32>
      %max3A_90 = arith.constant 0 : i32
      %max3A_91 = vector.broadcast %max3A_90 : i32 to vector<16xi32>
      %max3A_92 = arith.maxsi %get3A_89, %max3A_91 : vector<16xi32>
      %min3A_93 = arith.constant 99999 : i32
      %min3A_94 = vector.broadcast %min3A_93 : i32 to vector<16xi32>
      %min3A_95 = arith.minsi %max3A_92, %min3A_94 : vector<16xi32>
      %swap3A_96 = arith.constant 0 : i32
      %swap3A_97 = arith.index_cast %swap3A_96 : i32 to index
      %swap3A_98 = arith.constant 64 : index
      %swap3A_99 = tpu.vector_load %arg6[%swap3A_97, %swap3A_98] {strides = array<i32>} : memref<1x128xi32, #tpu.memory_space<vmem>>, vector<1x16xi32>,
      %swap3A_100 = vector.shape_cast %swap3A_99 : vector<1x16xi32> to vector<16xi32>
      %swap3A_101 = vector.shape_cast %min3A_95 : vector<16xi32> to vector<1x16xi32>
      tpu.vector_store %arg6[%swap3A_97, %swap3A_98], %swap3A_101 {strides = array<i32>} : memref<1x128xi32, #tpu.memory_space<vmem>>, vector<1x16xi32>,
      %add3A_102 = arith.constant 80 : i32
      %add3A_103 = arith.addi %mul3A_10, %add3A_102 : i32
      %get3A_104 = arith.constant 0 : i32
      %get3A_105 = arith.index_cast %get3A_104 : i32 to index
      %get3A_106 = arith.index_cast %add3A_103 : i32 to index
      %get3A_107 = tpu.vector_load %arg5[%get3A_105, %get3A_106] {strides = array<i32>} : memref<26x512xi32, #tpu.memory_space<vmem>>, vector<1x16xi32>,
      %get3A_108 = vector.shape_cast %get3A_107 : vector<1x16xi32> to vector<16xi32>
      %max3A_109 = arith.constant 0 : i32
      %max3A_110 = vector.broadcast %max3A_109 : i32 to vector<16xi32>
      %max3A_111 = arith.maxsi %get3A_108, %max3A_110 : vector<16xi32>
      %min3A_112 = arith.constant 99999 : i32
      %min3A_113 = vector.broadcast %min3A_112 : i32 to vector<16xi32>
      %min3A_114 = arith.minsi %max3A_111, %min3A_113 : vector<16xi32>
      %swap3A_115 = arith.constant 0 : i32
      %swap3A_116 = arith.index_cast %swap3A_115 : i32 to index
      %swap3A_117 = arith.constant 80 : index
      %swap3A_118 = tpu.vector_load %arg6[%swap3A_116, %swap3A_117] {strides = array<i32>} : memref<1x128xi32, #tpu.memory_space<vmem>>, vector<1x16xi32>,
      %swap3A_119 = vector.shape_cast %swap3A_118 : vector<1x16xi32> to vector<16xi32>
      %swap3A_120 = vector.shape_cast %min3A_114 : vector<16xi32> to vector<1x16xi32>
      tpu.vector_store %arg6[%swap3A_116, %swap3A_117], %swap3A_120 {strides = array<i32>} : memref<1x128xi32, #tpu.memory_space<vmem>>, vector<1x16xi32>,
      %add3A_121 = arith.constant 96 : i32
      %add3A_122 = arith.addi %mul3A_10, %add3A_121 : i32
      %get3A_123 = arith.constant 0 : i32
      %get3A_124 = arith.index_cast %get3A_123 : i32 to index
      %get3A_125 = arith.index_cast %add3A_122 : i32 to index
      %get3A_126 = tpu.vector_load %arg5[%get3A_124, %get3A_125] {strides = array<i32>} : memref<26x512xi32, #tpu.memory_space<vmem>>, vector<1x16xi32>,
      %get3A_127 = vector.shape_cast %get3A_126 : vector<1x16xi32> to vector<16xi32>
      %max3A_128 = arith.constant 0 : i32
      %max3A_129 = vector.broadcast %max3A_128 : i32 to vector<16xi32>
      %max3A_130 = arith.maxsi %get3A_127, %max3A_129 : vector<16xi32>
      %min3A_131 = arith.constant 99999 : i32
      %min3A_132 = vector.broadcast %min3A_131 : i32 to vector<16xi32>
      %min3A_133 = arith.minsi %max3A_130, %min3A_132 : vector<16xi32>
      %swap3A_134 = arith.constant 0 : i32
      %swap3A_135 = arith.index_cast %swap3A_134 : i32 to index
      %swap3A_136 = arith.constant 96 : index
      %swap3A_137 = tpu.vector_load %arg6[%swap3A_135, %swap3A_136] {strides = array<i32>} : memref<1x128xi32, #tpu.memory_space<vmem>>, vector<1x16xi32>,
      %swap3A_138 = vector.shape_cast %swap3A_137 : vector<1x16xi32> to vector<16xi32>
      %swap3A_139 = vector.shape_cast %min3A_133 : vector<16xi32> to vector<1x16xi32>
      tpu.vector_store %arg6[%swap3A_135, %swap3A_136], %swap3A_139 {strides = array<i32>} : memref<1x128xi32, #tpu.memory_space<vmem>>, vector<1x16xi32>,
      %add3A_140 = arith.constant 112 : i32
      %add3A_141 = arith.addi %mul3A_10, %add3A_140 : i32
      %get3A_142 = arith.constant 0 : i32
      %get3A_143 = arith.index_cast %get3A_142 : i32 to index
      %get3A_144 = arith.index_cast %add3A_141 : i32 to index
      %get3A_145 = tpu.vector_load %arg5[%get3A_143, %get3A_144] {strides = array<i32>} : memref<26x512xi32, #tpu.memory_space<vmem>>, vector<1x16xi32>,
      %get3A_146 = vector.shape_cast %get3A_145 : vector<1x16xi32> to vector<16xi32>
      %max3A_147 = arith.constant 0 : i32
      %max3A_148 = vector.broadcast %max3A_147 : i32 to vector<16xi32>
      %max3A_149 = arith.maxsi %get3A_146, %max3A_148 : vector<16xi32>
      %min3A_150 = arith.constant 99999 : i32
      %min3A_151 = vector.broadcast %min3A_150 : i32 to vector<16xi32>
      %min3A_152 = arith.minsi %max3A_149, %min3A_151 : vector<16xi32>
      %swap3A_153 = arith.constant 0 : i32
      %swap3A_154 = arith.index_cast %swap3A_153 : i32 to index
      %swap3A_155 = arith.constant 112 : index
      %swap3A_156 = tpu.vector_load %arg6[%swap3A_154, %swap3A_155] {strides = array<i32>} : memref<1x128xi32, #tpu.memory_space<vmem>>, vector<1x16xi32>,
      %swap3A_157 = vector.shape_cast %swap3A_156 : vector<1x16xi32> to vector<16xi32>
      %swap3A_158 = vector.shape_cast %min3A_152 : vector<16xi32> to vector<1x16xi32>
      tpu.vector_store %arg6[%swap3A_154, %swap3A_155], %swap3A_158 {strides = array<i32>} : memref<1x128xi32, #tpu.memory_space<vmem>>, vector<1x16xi32>,
      %dma_start3A = arith.constant 0 : i32
      %dma_start3A_159 = arith.constant 0 : i32
      %dma_start3A_160 = arith.constant 0 : i32
      %dma_start3A_161 = tpu.memref_slice %arg6[%dma_start3A_159, %dma_start3A_160] : memref<1x128xi32, #tpu.memory_space<vmem>> -> memref<1x128xi32, #tpu.memory_space<vmem>>
      %dma_start3A_162 = tpu.memref_squeeze %dma_start3A_161 : memref<1x128xi32, #tpu.memory_space<vmem>> -> memref<128xi32, #tpu.memory_space<vmem>>
      %dma_start3A_163 = arith.constant 0 : i32
      %dma_start3A_164 = arith.constant 0 : i32
      %dma_start3A_165 = tpu.memref_slice %arg3[%dma_start3A, %dma_start3A_163, %dma_start3A_164] : memref<26x100000x64xf32, #tpu.memory_space<hbm>> -> memref<1x100000x64xf32, #tpu.memory_space<hbm>>
      %dma_start3A_166 = tpu.memref_squeeze %dma_start3A_165 : memref<1x100000x64xf32, #tpu.memory_space<hbm>> -> memref<100000x64xf32, #tpu.memory_space<hbm>>
      %dma_start3A_167 = arith.constant 0 : i32
      %dma_start3A_168 = arith.constant 0 : i32
      %dma_start3A_169 = tpu.memref_slice %dma_start3A_166[%dma_start3A_167, %dma_start3A_168] : memref<100000x64xf32, #tpu.memory_space<hbm>> -> memref<100000x64xf32, #tpu.memory_space<hbm>>
      tpu.enqueue_indirect_dma source(%dma_start3A_169 : memref<100000x64xf32, #tpu.memory_space<hbm>>) target(%arg10 : memref<128x64xf32, #tpu.memory_space<vmem>>) offsets(%dma_start3A_162 : memref<128xi32, #tpu.memory_space<vmem>>) semaphore(%arg11 : memref<!tpu.dma_semaphore, #tpu.memory_space<semaphore_mem>>)
      %dma_wait3A = arith.constant 0 : i32
      %dma_wait3A_170 = arith.constant 0 : i32
      %dma_wait3A_171 = arith.constant 0 : i32
      %dma_wait3A_172 = tpu.memref_slice %arg6[%dma_wait3A_170, %dma_wait3A_171] : memref<1x128xi32, #tpu.memory_space<vmem>> -> memref<1x128xi32, #tpu.memory_space<vmem>>
      %dma_wait3A_173 = tpu.memref_squeeze %dma_wait3A_172 : memref<1x128xi32, #tpu.memory_space<vmem>> -> memref<128xi32, #tpu.memory_space<vmem>>
      %dma_wait3A_174 = arith.constant 0 : i32
      %dma_wait3A_175 = arith.constant 0 : i32
      %dma_wait3A_176 = tpu.memref_slice %arg3[%dma_wait3A, %dma_wait3A_174, %dma_wait3A_175] : memref<26x100000x64xf32, #tpu.memory_space<hbm>> -> memref<1x100000x64xf32, #tpu.memory_space<hbm>>
      %dma_wait3A_177 = tpu.memref_squeeze %dma_wait3A_176 : memref<1x100000x64xf32, #tpu.memory_space<hbm>> -> memref<100000x64xf32, #tpu.memory_space<hbm>>
      %dma_wait3A_178 = arith.constant 0 : i32
      %dma_wait3A_179 = arith.constant 0 : i32
      %dma_wait3A_180 = tpu.memref_slice %dma_wait3A_177[%dma_wait3A_178, %dma_wait3A_179] : memref<100000x64xf32, #tpu.memory_space<hbm>> -> memref<100000x64xf32, #tpu.memory_space<hbm>>
      tpu.wait_indirect_dma semaphore(%arg11 : memref<!tpu.dma_semaphore, #tpu.memory_space<semaphore_mem>>) src(%dma_wait3A_180 : memref<100000x64xf32, #tpu.memory_space<hbm>>) dst(%arg10 : memref<128x64xf32, #tpu.memory_space<vmem>>)
      %add3A_181 = arith.constant 0 : i32
      %add3A_182 = arith.addi %mul3A_10, %add3A_181 : i32
      %get3A_183 = arith.constant 1 : i32
      %get3A_184 = arith.index_cast %get3A_183 : i32 to index
      %get3A_185 = arith.index_cast %add3A_182 : i32 to index
      %get3A_186 = tpu.vector_load %arg5[%get3A_184, %get3A_185] {strides = array<i32>} : memref<26x512xi32, #tpu.memory_space<vmem>>, vector<1x16xi32>,
      %get3A_187 = vector.shape_cast %get3A_186 : vector<1x16xi32> to vector<16xi32>
      %max3A_188 = arith.constant 0 : i32
      %max3A_189 = vector.broadcast %max3A_188 : i32 to vector<16xi32>
      %max3A_190 = arith.maxsi %get3A_187, %max3A_189 : vector<16xi32>
      %min3A_191 = arith.constant 99999 : i32
      %min3A_192 = vector.broadcast %min3A_191 : i32 to vector<16xi32>
      %min3A_193 = arith.minsi %max3A_190, %min3A_192 : vector<16xi32>
      %swap3A_194 = arith.constant 0 : i32
      %swap3A_195 = arith.index_cast %swap3A_194 : i32 to index
      %swap3A_196 = arith.constant 0 : index
      %swap3A_197 = tpu.vector_load %arg6[%swap3A_195, %swap3A_196] {strides = array<i32>} : memref<1x128xi32, #tpu.memory_space<vmem>>, vector<1x16xi32>,
      %swap3A_198 = vector.shape_cast %swap3A_197 : vector<1x16xi32> to vector<16xi32>
      %swap3A_199 = vector.shape_cast %min3A_193 : vector<16xi32> to vector<1x16xi32>
      tpu.vector_store %arg6[%swap3A_195, %swap3A_196], %swap3A_199 {strides = array<i32>} : memref<1x128xi32, #tpu.memory_space<vmem>>, vector<1x16xi32>,
      %add3A_200 = arith.constant 16 : i32
      %add3A_201 = arith.addi %mul3A_10, %add3A_200 : i32
      %get3A_202 = arith.constant 1 : i32
      %get3A_203 = arith.index_cast %get3A_202 : i32 to index
      %get3A_204 = arith.index_cast %add3A_201 : i32 to index
      %get3A_205 = tpu.vector_load %arg5[%get3A_203, %get3A_204] {strides = array<i32>} : memref<26x512xi32, #tpu.memory_space<vmem>>, vector<1x16xi32>,
      %get3A_206 = vector.shape_cast %get3A_205 : vector<1x16xi32> to vector<16xi32>
      %max3A_207 = arith.constant 0 : i32
      %max3A_208 = vector.broadcast %max3A_207 : i32 to vector<16xi32>
      %max3A_209 = arith.maxsi %get3A_206, %max3A_208 : vector<16xi32>
      %min3A_210 = arith.constant 99999 : i32
      %min3A_211 = vector.broadcast %min3A_210 : i32 to vector<16xi32>
      %min3A_212 = arith.minsi %max3A_209, %min3A_211 : vector<16xi32>
      %swap3A_213 = arith.constant 0 : i32
      %swap3A_214 = arith.index_cast %swap3A_213 : i32 to index
      %swap3A_215 = arith.constant 16 : index
      %swap3A_216 = tpu.vector_load %arg6[%swap3A_214, %swap3A_215] {strides = array<i32>} : memref<1x128xi32, #tpu.memory_space<vmem>>, vector<1x16xi32>,
      %swap3A_217 = vector.shape_cast %swap3A_216 : vector<1x16xi32> to vector<16xi32>
      %swap3A_218 = vector.shape_cast %min3A_212 : vector<16xi32> to vector<1x16xi32>
      tpu.vector_store %arg6[%swap3A_214, %swap3A_215], %swap3A_218 {strides = array<i32>} : memref<1x128xi32, #tpu.memory_space<vmem>>, vector<1x16xi32>,
      %add3A_219 = arith.constant 32 : i32
      %add3A_220 = arith.addi %mul3A_10, %add3A_219 : i32
      %get3A_221 = arith.constant 1 : i32
      %get3A_222 = arith.index_cast %get3A_221 : i32 to index
      %get3A_223 = arith.index_cast %add3A_220 : i32 to index
      %get3A_224 = tpu.vector_load %arg5[%get3A_222, %get3A_223] {strides = array<i32>} : memref<26x512xi32, #tpu.memory_space<vmem>>, vector<1x16xi32>,
      %get3A_225 = vector.shape_cast %get3A_224 : vector<1x16xi32> to vector<16xi32>
      %max3A_226 = arith.constant 0 : i32
      %max3A_227 = vector.broadcast %max3A_226 : i32 to vector<16xi32>
      %max3A_228 = arith.maxsi %get3A_225, %max3A_227 : vector<16xi32>
      %min3A_229 = arith.constant 99999 : i32
      %min3A_230 = vector.broadcast %min3A_229 : i32 to vector<16xi32>
      %min3A_231 = arith.minsi %max3A_228, %min3A_230 : vector<16xi32>
      %swap3A_232 = arith.constant 0 : i32
      %swap3A_233 = arith.index_cast %swap3A_232 : i32 to index
      %swap3A_234 = arith.constant 32 : index
      %swap3A_235 = tpu.vector_load %arg6[%swap3A_233, %swap3A_234] {strides = array<i32>} : memref<1x128xi32, #tpu.memory_space<vmem>>, vector<1x16xi32>,
      %swap3A_236 = vector.shape_cast %swap3A_235 : vector<1x16xi32> to vector<16xi32>
      %swap3A_237 = vector.shape_cast %min3A_231 : vector<16xi32> to vector<1x16xi32>
      tpu.vector_store %arg6[%swap3A_233, %swap3A_234], %swap3A_237 {strides = array<i32>} : memref<1x128xi32, #tpu.memory_space<vmem>>, vector<1x16xi32>,
      %add3A_238 = arith.constant 48 : i32
      %add3A_239 = arith.addi %mul3A_10, %add3A_238 : i32
      %get3A_240 = arith.constant 1 : i32
      %get3A_241 = arith.index_cast %get3A_240 : i32 to index
      %get3A_242 = arith.index_cast %add3A_239 : i32 to index
      %get3A_243 = tpu.vector_load %arg5[%get3A_241, %get3A_242] {strides = array<i32>} : memref<26x512xi32, #tpu.memory_space<vmem>>, vector<1x16xi32>,
      %get3A_244 = vector.shape_cast %get3A_243 : vector<1x16xi32> to vector<16xi32>
      %max3A_245 = arith.constant 0 : i32
      %max3A_246 = vector.broadcast %max3A_245 : i32 to vector<16xi32>
      %max3A_247 = arith.maxsi %get3A_244, %max3A_246 : vector<16xi32>
      %min3A_248 = arith.constant 99999 : i32
      %min3A_249 = vector.broadcast %min3A_248 : i32 to vector<16xi32>
      %min3A_250 = arith.minsi %max3A_247, %min3A_249 : vector<16xi32>
      %swap3A_251 = arith.constant 0 : i32
      %swap3A_252 = arith.index_cast %swap3A_251 : i32 to index
      %swap3A_253 = arith.constant 48 : index
      %swap3A_254 = tpu.vector_load %arg6[%swap3A_252, %swap3A_253] {strides = array<i32>} : memref<1x128xi32, #tpu.memory_space<vmem>>, vector<1x16xi32>,
      %swap3A_255 = vector.shape_cast %swap3A_254 : vector<1x16xi32> to vector<16xi32>
      %swap3A_256 = vector.shape_cast %min3A_250 : vector<16xi32> to vector<1x16xi32>
      tpu.vector_store %arg6[%swap3A_252, %swap3A_253], %swap3A_256 {strides = array<i32>} : memref<1x128xi32, #tpu.memory_space<vmem>>, vector<1x16xi32>,
      %add3A_257 = arith.constant 64 : i32
      %add3A_258 = arith.addi %mul3A_10, %add3A_257 : i32
      %get3A_259 = arith.constant 1 : i32
      %get3A_260 = arith.index_cast %get3A_259 : i32 to index
      %get3A_261 = arith.index_cast %add3A_258 : i32 to index
      %get3A_262 = tpu.vector_load %arg5[%get3A_260, %get3A_261] {strides = array<i32>} : memref<26x512xi32, #tpu.memory_space<vmem>>, vector<1x16xi32>,
      %get3A_263 = vector.shape_cast %get3A_262 : vector<1x16xi32> to vector<16xi32>
      %max3A_264 = arith.constant 0 : i32
      %max3A_265 = vector.broadcast %max3A_264 : i32 to vector<16xi32>
      %max3A_266 = arith.maxsi %get3A_263, %max3A_265 : vector<16xi32>
      %min3A_267 = arith.constant 99999 : i32
      %min3A_268 = vector.broadcast %min3A_267 : i32 to vector<16xi32>
      %min3A_269 = arith.minsi %max3A_266, %min3A_268 : vector<16xi32>
      %swap3A_270 = arith.constant 0 : i32
      %swap3A_271 = arith.index_cast %swap3A_270 : i32 to index
      %swap3A_272 = arith.constant 64 : index
      %swap3A_273 = tpu.vector_load %arg6[%swap3A_271, %swap3A_272] {strides = array<i32>} : memref<1x128xi32, #tpu.memory_space<vmem>>, vector<1x16xi32>,
      %swap3A_274 = vector.shape_cast %swap3A_273 : vector<1x16xi32> to vector<16xi32>
      %swap3A_275 = vector.shape_cast %min3A_269 : vector<16xi32> to vector<1x16xi32>
      tpu.vector_store %arg6[%swap3A_271, %swap3A_272], %swap3A_275 {strides = array<i32>} : memref<1x128xi32, #tpu.memory_space<vmem>>, vector<1x16xi32>,
      %add3A_276 = arith.constant 80 : i32
      %add3A_277 = arith.addi %mul3A_10, %add3A_276 : i32
      %get3A_278 = arith.constant 1 : i32
      %get3A_279 = arith.index_cast %get3A_278 : i32 to index
      %get3A_280 = arith.index_cast %add3A_277 : i32 to index
      %get3A_281 = tpu.vector_load %arg5[%get3A_279, %get3A_280] {strides = array<i32>} : memref<26x512xi32, #tpu.memory_space<vmem>>, vector<1x16xi32>,
      %get3A_282 = vector.shape_cast %get3A_281 : vector<1x16xi32> to vector<16xi32>
      %max3A_283 = arith.constant 0 : i32
      %max3A_284 = vector.broadcast %max3A_283 : i32 to vector<16xi32>
      %max3A_285 = arith.maxsi %get3A_282, %max3A_284 : vector<16xi32>
      %min3A_286 = arith.constant 99999 : i32
      %min3A_287 = vector.broadcast %min3A_286 : i32 to vector<16xi32>
      %min3A_288 = arith.minsi %max3A_285, %min3A_287 : vector<16xi32>
      %swap3A_289 = arith.constant 0 : i32
      %swap3A_290 = arith.index_cast %swap3A_289 : i32 to index
      %swap3A_291 = arith.constant 80 : index
      %swap3A_292 = tpu.vector_load %arg6[%swap3A_290, %swap3A_291] {strides = array<i32>} : memref<1x128xi32, #tpu.memory_space<vmem>>, vector<1x16xi32>,
      %swap3A_293 = vector.shape_cast %swap3A_292 : vector<1x16xi32> to vector<16xi32>
      %swap3A_294 = vector.shape_cast %min3A_288 : vector<16xi32> to vector<1x16xi32>
      tpu.vector_store %arg6[%swap3A_290, %swap3A_291], %swap3A_294 {strides = array<i32>} : memref<1x128xi32, #tpu.memory_space<vmem>>, vector<1x16xi32>,
      %add3A_295 = arith.constant 96 : i32
      %add3A_296 = arith.addi %mul3A_10, %add3A_295 : i32
      %get3A_297 = arith.constant 1 : i32
      %get3A_298 = arith.index_cast %get3A_297 : i32 to index
      %get3A_299 = arith.index_cast %add3A_296 : i32 to index
      %get3A_300 = tpu.vector_load %arg5[%get3A_298, %get3A_299] {strides = array<i32>} : memref<26x512xi32, #tpu.memory_space<vmem>>, vector<1x16xi32>,
      %get3A_301 = vector.shape_cast %get3A_300 : vector<1x16xi32> to vector<16xi32>
      %max3A_302 = arith.constant 0 : i32
      %max3A_303 = vector.broadcast %max3A_302 : i32 to vector<16xi32>
      %max3A_304 = arith.maxsi %get3A_301, %max3A_303 : vector<16xi32>
      %min3A_305 = arith.constant 99999 : i32
      %min3A_306 = vector.broadcast %min3A_305 : i32 to vector<16xi32>
      %min3A_307 = arith.minsi %max3A_304, %min3A_306 : vector<16xi32>
      %swap3A_308 = arith.constant 0 : i32
      %swap3A_309 = arith.index_cast %swap3A_308 : i32 to index
      %swap3A_310 = arith.constant 96 : index
      %swap3A_311 = tpu.vector_load %arg6[%swap3A_309, %swap3A_310] {strides = array<i32>} : memref<1x128xi32, #tpu.memory_space<vmem>>, vector<1x16xi32>,
      %swap3A_312 = vector.shape_cast %swap3A_311 : vector<1x16xi32> to vector<16xi32>
      %swap3A_313 = vector.shape_cast %min3A_307 : vector<16xi32> to vector<1x16xi32>
      tpu.vector_store %arg6[%swap3A_309, %swap3A_310], %swap3A_313 {strides = array<i32>} : memref<1x128xi32, #tpu.memory_space<vmem>>, vector<1x16xi32>,
      %add3A_314 = arith.constant 112 : i32
      %add3A_315 = arith.addi %mul3A_10, %add3A_314 : i32
      %get3A_316 = arith.constant 1 : i32
      %get3A_317 = arith.index_cast %get3A_316 : i32 to index
      %get3A_318 = arith.index_cast %add3A_315 : i32 to index
      %get3A_319 = tpu.vector_load %arg5[%get3A_317, %get3A_318] {strides = array<i32>} : memref<26x512xi32, #tpu.memory_space<vmem>>, vector<1x16xi32>,
      %get3A_320 = vector.shape_cast %get3A_319 : vector<1x16xi32> to vector<16xi32>
      %max3A_321 = arith.constant 0 : i32
      %max3A_322 = vector.broadcast %max3A_321 : i32 to vector<16xi32>
      %max3A_323 = arith.maxsi %get3A_320, %max3A_322 : vector<16xi32>
      %min3A_324 = arith.constant 99999 : i32
      %min3A_325 = vector.broadcast %min3A_324 : i32 to vector<16xi32>
      %min3A_326 = arith.minsi %max3A_323, %min3A_325 : vector<16xi32>
      %swap3A_327 = arith.constant 0 : i32
      %swap3A_328 = arith.index_cast %swap3A_327 : i32 to index
      %swap3A_329 = arith.constant 112 : index
      %swap3A_330 = tpu.vector_load %arg6[%swap3A_328, %swap3A_329] {strides = array<i32>} : memref<1x128xi32, #tpu.memory_space<vmem>>, vector<1x16xi32>,
      %swap3A_331 = vector.shape_cast %swap3A_330 : vector<1x16xi32> to vector<16xi32>
      %swap3A_332 = vector.shape_cast %min3A_326 : vector<16xi32> to vector<1x16xi32>
      tpu.vector_store %arg6[%swap3A_328, %swap3A_329], %swap3A_332 {strides = array<i32>} : memref<1x128xi32, #tpu.memory_space<vmem>>, vector<1x16xi32>,
      %dma_start3A_333 = arith.constant 1 : i32
      %dma_start3A_334 = arith.constant 0 : i32
      %dma_start3A_335 = arith.constant 0 : i32
      %dma_start3A_336 = tpu.memref_slice %arg6[%dma_start3A_334, %dma_start3A_335] : memref<1x128xi32, #tpu.memory_space<vmem>> -> memref<1x128xi32, #tpu.memory_space<vmem>>
      %dma_start3A_337 = tpu.memref_squeeze %dma_start3A_336 : memref<1x128xi32, #tpu.memory_space<vmem>> -> memref<128xi32, #tpu.memory_space<vmem>>
      %dma_start3A_338 = arith.constant 0 : i32
      %dma_start3A_339 = arith.constant 0 : i32
      %dma_start3A_340 = tpu.memref_slice %arg3[%dma_start3A_333, %dma_start3A_338, %dma_start3A_339] : memref<26x100000x64xf32, #tpu.memory_space<hbm>> -> memref<1x100000x64xf32, #tpu.memory_space<hbm>>
      %dma_start3A_341 = tpu.memref_squeeze %dma_start3A_340 : memref<1x100000x64xf32, #tpu.memory_space<hbm>> -> memref<100000x64xf32, #tpu.memory_space<hbm>>
      %dma_start3A_342 = arith.constant 0 : i32
      %dma_start3A_343 = arith.constant 0 : i32
      %dma_start3A_344 = tpu.memref_slice %dma_start3A_341[%dma_start3A_342, %dma_start3A_343] : memref<100000x64xf32, #tpu.memory_space<hbm>> -> memref<100000x64xf32, #tpu.memory_space<hbm>>
      tpu.enqueue_indirect_dma source(%dma_start3A_344 : memref<100000x64xf32, #tpu.memory_space<hbm>>) target(%arg8 : memref<128x64xf32, #tpu.memory_space<vmem>>) offsets(%dma_start3A_337 : memref<128xi32, #tpu.memory_space<vmem>>) semaphore(%arg11 : memref<!tpu.dma_semaphore, #tpu.memory_space<semaphore_mem>>)
      %add3A_345 = arith.constant 0 : i32
      %add3A_346 = arith.addi %mul3A_10, %add3A_345 : i32
      %get3A_347 = arith.constant 2 : i32
      %get3A_348 = arith.index_cast %get3A_347 : i32 to index
      %get3A_349 = arith.index_cast %add3A_346 : i32 to index
      %get3A_350 = tpu.vector_load %arg5[%get3A_348, %get3A_349] {strides = array<i32>} : memref<26x512xi32, #tpu.memory_space<vmem>>, vector<1x16xi32>,
      %get3A_351 = vector.shape_cast %get3A_350 : vector<1x16xi32> to vector<16xi32>
      %max3A_352 = arith.constant 0 : i32
      %max3A_353 = vector.broadcast %max3A_352 : i32 to vector<16xi32>
      %max3A_354 = arith.maxsi %get3A_351, %max3A_353 : vector<16xi32>
      %min3A_355 = arith.constant 99999 : i32
      %min3A_356 = vector.broadcast %min3A_355 : i32 to vector<16xi32>
      %min3A_357 = arith.minsi %max3A_354, %min3A_356 : vector<16xi32>
      %swap3A_358 = arith.constant 0 : i32
      %swap3A_359 = arith.index_cast %swap3A_358 : i32 to index
      %swap3A_360 = arith.constant 0 : index
      %swap3A_361 = tpu.vector_load %arg7[%swap3A_359, %swap3A_360] {strides = array<i32>} : memref<1x128xi32, #tpu.memory_space<vmem>>, vector<1x16xi32>,
      %swap3A_362 = vector.shape_cast %swap3A_361 : vector<1x16xi32> to vector<16xi32>
      %swap3A_363 = vector.shape_cast %min3A_357 : vector<16xi32> to vector<1x16xi32>
      tpu.vector_store %arg7[%swap3A_359, %swap3A_360], %swap3A_363 {strides = array<i32>} : memref<1x128xi32, #tpu.memory_space<vmem>>, vector<1x16xi32>,
      %add3A_364 = arith.constant 16 : i32
      %add3A_365 = arith.addi %mul3A_10, %add3A_364 : i32
      %get3A_366 = arith.constant 2 : i32
      %get3A_367 = arith.index_cast %get3A_366 : i32 to index
      %get3A_368 = arith.index_cast %add3A_365 : i32 to index
      %get3A_369 = tpu.vector_load %arg5[%get3A_367, %get3A_368] {strides = array<i32>} : memref<26x512xi32, #tpu.memory_space<vmem>>, vector<1x16xi32>,
      %get3A_370 = vector.shape_cast %get3A_369 : vector<1x16xi32> to vector<16xi32>
      %max3A_371 = arith.constant 0 : i32
      %max3A_372 = vector.broadcast %max3A_371 : i32 to vector<16xi32>
      %max3A_373 = arith.maxsi %get3A_370, %max3A_372 : vector<16xi32>
      %min3A_374 = arith.constant 99999 : i32
      %min3A_375 = vector.broadcast %min3A_374 : i32 to vector<16xi32>
      %min3A_376 = arith.minsi %max3A_373, %min3A_375 : vector<16xi32>
      %swap3A_377 = arith.constant 0 : i32
      %swap3A_378 = arith.index_cast %swap3A_377 : i32 to index
      %swap3A_379 = arith.constant 16 : index
      %swap3A_380 = tpu.vector_load %arg7[%swap3A_378, %swap3A_379] {strides = array<i32>} : memref<1x128xi32, #tpu.memory_space<vmem>>, vector<1x16xi32>,
      %swap3A_381 = vector.shape_cast %swap3A_380 : vector<1x16xi32> to vector<16xi32>
      %swap3A_382 = vector.shape_cast %min3A_376 : vector<16xi32> to vector<1x16xi32>
      tpu.vector_store %arg7[%swap3A_378, %swap3A_379], %swap3A_382 {strides = array<i32>} : memref<1x128xi32, #tpu.memory_space<vmem>>, vector<1x16xi32>,
      %add3A_383 = arith.constant 32 : i32
      %add3A_384 = arith.addi %mul3A_10, %add3A_383 : i32
      %get3A_385 = arith.constant 2 : i32
      %get3A_386 = arith.index_cast %get3A_385 : i32 to index
      %get3A_387 = arith.index_cast %add3A_384 : i32 to index
      %get3A_388 = tpu.vector_load %arg5[%get3A_386, %get3A_387] {strides = array<i32>} : memref<26x512xi32, #tpu.memory_space<vmem>>, vector<1x16xi32>,
      %get3A_389 = vector.shape_cast %get3A_388 : vector<1x16xi32> to vector<16xi32>
      %max3A_390 = arith.constant 0 : i32
      %max3A_391 = vector.broadcast %max3A_390 : i32 to vector<16xi32>
      %max3A_392 = arith.maxsi %get3A_389, %max3A_391 : vector<16xi32>
      %min3A_393 = arith.constant 99999 : i32
      %min3A_394 = vector.broadcast %min3A_393 : i32 to vector<16xi32>
      %min3A_395 = arith.minsi %max3A_392, %min3A_394 : vector<16xi32>
      %swap3A_396 = arith.constant 0 : i32
      %swap3A_397 = arith.index_cast %swap3A_396 : i32 to index
      %swap3A_398 = arith.constant 32 : index
      %swap3A_399 = tpu.vector_load %arg7[%swap3A_397, %swap3A_398] {strides = array<i32>} : memref<1x128xi32, #tpu.memory_space<vmem>>, vector<1x16xi32>,
      %swap3A_400 = vector.shape_cast %swap3A_399 : vector<1x16xi32> to vector<16xi32>
      %swap3A_401 = vector.shape_cast %min3A_395 : vector<16xi32> to vector<1x16xi32>
      tpu.vector_store %arg7[%swap3A_397, %swap3A_398], %swap3A_401 {strides = array<i32>} : memref<1x128xi32, #tpu.memory_space<vmem>>, vector<1x16xi32>,
      %add3A_402 = arith.constant 48 : i32
      %add3A_403 = arith.addi %mul3A_10, %add3A_402 : i32
      %get3A_404 = arith.constant 2 : i32
      %get3A_405 = arith.index_cast %get3A_404 : i32 to index
      %get3A_406 = arith.index_cast %add3A_403 : i32 to index
      %get3A_407 = tpu.vector_load %arg5[%get3A_405, %get3A_406] {strides = array<i32>} : memref<26x512xi32, #tpu.memory_space<vmem>>, vector<1x16xi32>,
      %get3A_408 = vector.shape_cast %get3A_407 : vector<1x16xi32> to vector<16xi32>
      %max3A_409 = arith.constant 0 : i32
      %max3A_410 = vector.broadcast %max3A_409 : i32 to vector<16xi32>
      %max3A_411 = arith.maxsi %get3A_408, %max3A_410 : vector<16xi32>
      %min3A_412 = arith.constant 99999 : i32
      %min3A_413 = vector.broadcast %min3A_412 : i32 to vector<16xi32>
      %min3A_414 = arith.minsi %max3A_411, %min3A_413 : vector<16xi32>
      %swap3A_415 = arith.constant 0 : i32
      %swap3A_416 = arith.index_cast %swap3A_415 : i32 to index
      %swap3A_417 = arith.constant 48 : index
      %swap3A_418 = tpu.vector_load %arg7[%swap3A_416, %swap3A_417] {strides = array<i32>} : memref<1x128xi32, #tpu.memory_space<vmem>>, vector<1x16xi32>,
      %swap3A_419 = vector.shape_cast %swap3A_418 : vector<1x16xi32> to vector<16xi32>
      %swap3A_420 = vector.shape_cast %min3A_414 : vector<16xi32> to vector<1x16xi32>
      tpu.vector_store %arg7[%swap3A_416, %swap3A_417], %swap3A_420 {strides = array<i32>} : memref<1x128xi32, #tpu.memory_space<vmem>>, vector<1x16xi32>,
      %add3A_421 = arith.constant 64 : i32
      %add3A_422 = arith.addi %mul3A_10, %add3A_421 : i32
      %get3A_423 = arith.constant 2 : i32
      %get3A_424 = arith.index_cast %get3A_423 : i32 to index
      %get3A_425 = arith.index_cast %add3A_422 : i32 to index
      %get3A_426 = tpu.vector_load %arg5[%get3A_424, %get3A_425] {strides = array<i32>} : memref<26x512xi32, #tpu.memory_space<vmem>>, vector<1x16xi32>,
      %get3A_427 = vector.shape_cast %get3A_426 : vector<1x16xi32> to vector<16xi32>
      %max3A_428 = arith.constant 0 : i32
      %max3A_429 = vector.broadcast %max3A_428 : i32 to vector<16xi32>
      %max3A_430 = arith.maxsi %get3A_427, %max3A_429 : vector<16xi32>
      %min3A_431 = arith.constant 99999 : i32
      %min3A_432 = vector.broadcast %min3A_431 : i32 to vector<16xi32>
      %min3A_433 = arith.minsi %max3A_430, %min3A_432 : vector<16xi32>
      %swap3A_434 = arith.constant 0 : i32
      %swap3A_435 = arith.index_cast %swap3A_434 : i32 to index
      %swap3A_436 = arith.constant 64 : index
      %swap3A_437 = tpu.vector_load %arg7[%swap3A_435, %swap3A_436] {strides = array<i32>} : memref<1x128xi32, #tpu.memory_space<vmem>>, vector<1x16xi32>,
      %swap3A_438 = vector.shape_cast %swap3A_437 : vector<1x16xi32> to vector<16xi32>
      %swap3A_439 = vector.shape_cast %min3A_433 : vector<16xi32> to vector<1x16xi32>
      tpu.vector_store %arg7[%swap3A_435, %swap3A_436], %swap3A_439 {strides = array<i32>} : memref<1x128xi32, #tpu.memory_space<vmem>>, vector<1x16xi32>,
      %add3A_440 = arith.constant 80 : i32
      %add3A_441 = arith.addi %mul3A_10, %add3A_440 : i32
      %get3A_442 = arith.constant 2 : i32
      %get3A_443 = arith.index_cast %get3A_442 : i32 to index
      %get3A_444 = arith.index_cast %add3A_441 : i32 to index
      %get3A_445 = tpu.vector_load %arg5[%get3A_443, %get3A_444] {strides = array<i32>} : memref<26x512xi32, #tpu.memory_space<vmem>>, vector<1x16xi32>,
      %get3A_446 = vector.shape_cast %get3A_445 : vector<1x16xi32> to vector<16xi32>
      %max3A_447 = arith.constant 0 : i32
      %max3A_448 = vector.broadcast %max3A_447 : i32 to vector<16xi32>
      %max3A_449 = arith.maxsi %get3A_446, %max3A_448 : vector<16xi32>
      %min3A_450 = arith.constant 99999 : i32
      %min3A_451 = vector.broadcast %min3A_450 : i32 to vector<16xi32>
      %min3A_452 = arith.minsi %max3A_449, %min3A_451 : vector<16xi32>
      %swap3A_453 = arith.constant 0 : i32
      %swap3A_454 = arith.index_cast %swap3A_453 : i32 to index
      %swap3A_455 = arith.constant 80 : index
      %swap3A_456 = tpu.vector_load %arg7[%swap3A_454, %swap3A_455] {strides = array<i32>} : memref<1x128xi32, #tpu.memory_space<vmem>>, vector<1x16xi32>,
      %swap3A_457 = vector.shape_cast %swap3A_456 : vector<1x16xi32> to vector<16xi32>
      %swap3A_458 = vector.shape_cast %min3A_452 : vector<16xi32> to vector<1x16xi32>
      tpu.vector_store %arg7[%swap3A_454, %swap3A_455], %swap3A_458 {strides = array<i32>} : memref<1x128xi32, #tpu.memory_space<vmem>>, vector<1x16xi32>,
      %add3A_459 = arith.constant 96 : i32
      %add3A_460 = arith.addi %mul3A_10, %add3A_459 : i32
      %get3A_461 = arith.constant 2 : i32
      %get3A_462 = arith.index_cast %get3A_461 : i32 to index
      %get3A_463 = arith.index_cast %add3A_460 : i32 to index
      %get3A_464 = tpu.vector_load %arg5[%get3A_462, %get3A_463] {strides = array<i32>} : memref<26x512xi32, #tpu.memory_space<vmem>>, vector<1x16xi32>,
      %get3A_465 = vector.shape_cast %get3A_464 : vector<1x16xi32> to vector<16xi32>
      %max3A_466 = arith.constant 0 : i32
      %max3A_467 = vector.broadcast %max3A_466 : i32 to vector<16xi32>
      %max3A_468 = arith.maxsi %get3A_465, %max3A_467 : vector<16xi32>
      %min3A_469 = arith.constant 99999 : i32
      %min3A_470 = vector.broadcast %min3A_469 : i32 to vector<16xi32>
      %min3A_471 = arith.minsi %max3A_468, %min3A_470 : vector<16xi32>
      %swap3A_472 = arith.constant 0 : i32
      %swap3A_473 = arith.index_cast %swap3A_472 : i32 to index
      %swap3A_474 = arith.constant 96 : index
      %swap3A_475 = tpu.vector_load %arg7[%swap3A_473, %swap3A_474] {strides = array<i32>} : memref<1x128xi32, #tpu.memory_space<vmem>>, vector<1x16xi32>,
      %swap3A_476 = vector.shape_cast %swap3A_475 : vector<1x16xi32> to vector<16xi32>
      %swap3A_477 = vector.shape_cast %min3A_471 : vector<16xi32> to vector<1x16xi32>
      tpu.vector_store %arg7[%swap3A_473, %swap3A_474], %swap3A_477 {strides = array<i32>} : memref<1x128xi32, #tpu.memory_space<vmem>>, vector<1x16xi32>,
      %add3A_478 = arith.constant 112 : i32
      %add3A_479 = arith.addi %mul3A_10, %add3A_478 : i32
      %get3A_480 = arith.constant 2 : i32
      %get3A_481 = arith.index_cast %get3A_480 : i32 to index
      %get3A_482 = arith.index_cast %add3A_479 : i32 to index
      %get3A_483 = tpu.vector_load %arg5[%get3A_481, %get3A_482] {strides = array<i32>} : memref<26x512xi32, #tpu.memory_space<vmem>>, vector<1x16xi32>,
      %get3A_484 = vector.shape_cast %get3A_483 : vector<1x16xi32> to vector<16xi32>
      %max3A_485 = arith.constant 0 : i32
      %max3A_486 = vector.broadcast %max3A_485 : i32 to vector<16xi32>
      %max3A_487 = arith.maxsi %get3A_484, %max3A_486 : vector<16xi32>
      %min3A_488 = arith.constant 99999 : i32
      %min3A_489 = vector.broadcast %min3A_488 : i32 to vector<16xi32>
      %min3A_490 = arith.minsi %max3A_487, %min3A_489 : vector<16xi32>
      %swap3A_491 = arith.constant 0 : i32
      %swap3A_492 = arith.index_cast %swap3A_491 : i32 to index
      %swap3A_493 = arith.constant 112 : index
      %swap3A_494 = tpu.vector_load %arg7[%swap3A_492, %swap3A_493] {strides = array<i32>} : memref<1x128xi32, #tpu.memory_space<vmem>>, vector<1x16xi32>,
      %swap3A_495 = vector.shape_cast %swap3A_494 : vector<1x16xi32> to vector<16xi32>
      %swap3A_496 = vector.shape_cast %min3A_490 : vector<16xi32> to vector<1x16xi32>
      tpu.vector_store %arg7[%swap3A_492, %swap3A_493], %swap3A_496 {strides = array<i32>} : memref<1x128xi32, #tpu.memory_space<vmem>>, vector<1x16xi32>,
      %dma_start3A_497 = arith.constant 2 : i32
      %dma_start3A_498 = arith.constant 0 : i32
      %dma_start3A_499 = arith.constant 0 : i32
      %dma_start3A_500 = tpu.memref_slice %arg7[%dma_start3A_498, %dma_start3A_499] : memref<1x128xi32, #tpu.memory_space<vmem>> -> memref<1x128xi32, #tpu.memory_space<vmem>>
      %dma_start3A_501 = tpu.memref_squeeze %dma_start3A_500 : memref<1x128xi32, #tpu.memory_space<vmem>> -> memref<128xi32, #tpu.memory_space<vmem>>
      %dma_start3A_502 = arith.constant 0 : i32
      %dma_start3A_503 = arith.constant 0 : i32
      %dma_start3A_504 = tpu.memref_slice %arg3[%dma_start3A_497, %dma_start3A_502, %dma_start3A_503] : memref<26x100000x64xf32, #tpu.memory_space<hbm>> -> memref<1x100000x64xf32, #tpu.memory_space<hbm>>
      %dma_start3A_505 = tpu.memref_squeeze %dma_start3A_504 : memref<1x100000x64xf32, #tpu.memory_space<hbm>> -> memref<100000x64xf32, #tpu.memory_space<hbm>>
      %dma_start3A_506 = arith.constant 0 : i32
      %dma_start3A_507 = arith.constant 0 : i32
      %dma_start3A_508 = tpu.memref_slice %dma_start3A_505[%dma_start3A_506, %dma_start3A_507] : memref<100000x64xf32, #tpu.memory_space<hbm>> -> memref<100000x64xf32, #tpu.memory_space<hbm>>
      tpu.enqueue_indirect_dma source(%dma_start3A_508 : memref<100000x64xf32, #tpu.memory_space<hbm>>) target(%arg9 : memref<128x64xf32, #tpu.memory_space<vmem>>) offsets(%dma_start3A_501 : memref<128xi32, #tpu.memory_space<vmem>>) semaphore(%arg12 : memref<!tpu.dma_semaphore, #tpu.memory_space<semaphore_mem>>)
      %dma_wait3A_509 = arith.constant 0 : i32
      %dma_wait3A_510 = arith.constant 0 : i32
      %dma_wait3A_511 = arith.constant 0 : i32
      %dma_wait3A_512 = tpu.memref_slice %arg6[%dma_wait3A_510, %dma_wait3A_511] : memref<1x128xi32, #tpu.memory_space<vmem>> -> memref<1x128xi32, #tpu.memory_space<vmem>>
      %dma_wait3A_513 = tpu.memref_squeeze %dma_wait3A_512 : memref<1x128xi32, #tpu.memory_space<vmem>> -> memref<128xi32, #tpu.memory_space<vmem>>
      %dma_wait3A_514 = arith.constant 0 : i32
      %dma_wait3A_515 = arith.constant 0 : i32
      %dma_wait3A_516 = tpu.memref_slice %arg3[%dma_wait3A_509, %dma_wait3A_514, %dma_wait3A_515] : memref<26x100000x64xf32, #tpu.memory_space<hbm>> -> memref<1x100000x64xf32, #tpu.memory_space<hbm>>
      %dma_wait3A_517 = tpu.memref_squeeze %dma_wait3A_516 : memref<1x100000x64xf32, #tpu.memory_space<hbm>> -> memref<100000x64xf32, #tpu.memory_space<hbm>>
      %dma_wait3A_518 = arith.constant 0 : i32
      %dma_wait3A_519 = arith.constant 0 : i32
      %dma_wait3A_520 = tpu.memref_slice %dma_wait3A_517[%dma_wait3A_518, %dma_wait3A_519] : memref<100000x64xf32, #tpu.memory_space<hbm>> -> memref<100000x64xf32, #tpu.memory_space<hbm>>
      tpu.wait_indirect_dma semaphore(%arg11 : memref<!tpu.dma_semaphore, #tpu.memory_space<semaphore_mem>>) src(%dma_wait3A_520 : memref<100000x64xf32, #tpu.memory_space<hbm>>) dst(%arg8 : memref<128x64xf32, #tpu.memory_space<vmem>>)
      %scan3A_521 = arith.constant 0 : i32
      %scan3A_522 = arith.constant 0 : i32
      %scan3A_523 = arith.constant 128 : i32
      %scan3A_524 = arith.addi %scan3A_522, %scan3A_523 : i32
      %scan3A_525 = arith.constant 2 : i32
      scf.for %scan3A_734 = %scan3A_522 to %scan3A_524 step %scan3A_525  : i32 {
        %get3A_735 = arith.index_cast %scan3A_734 : i32 to index
        %get3A_736 = arith.constant 0 : index
        %get3A_737 = tpu.vector_load %arg8[%get3A_735, %get3A_736] {strides = array<i32>} : memref<128x64xf32, #tpu.memory_space<vmem>>, vector<1x16xf32>,
        %get3A_738 = vector.shape_cast %get3A_737 : vector<1x16xf32> to vector<16xf32>
        %swap3A_739 = arith.index_cast %scan3A_734 : i32 to index
        %swap3A_740 = arith.constant 0 : index
        %swap3A_741 = tpu.vector_load %arg10[%swap3A_739, %swap3A_740] {strides = array<i32>} : memref<128x64xf32, #tpu.memory_space<vmem>>, vector<1x16xf32>,
        %swap3A_742 = vector.shape_cast %swap3A_741 : vector<1x16xf32> to vector<16xf32>
        %swap3A_743 = vector.shape_cast %get3A_738 : vector<16xf32> to vector<1x16xf32>
        tpu.vector_store %arg10[%swap3A_739, %swap3A_740], %swap3A_743 {add = true, strides = array<i32>} : memref<128x64xf32, #tpu.memory_space<vmem>>, vector<1x16xf32>,
        %get3A_744 = arith.index_cast %scan3A_734 : i32 to index
        %get3A_745 = arith.constant 16 : index
        %get3A_746 = tpu.vector_load %arg8[%get3A_744, %get3A_745] {strides = array<i32>} : memref<128x64xf32, #tpu.memory_space<vmem>>, vector<1x16xf32>,
        %get3A_747 = vector.shape_cast %get3A_746 : vector<1x16xf32> to vector<16xf32>
        %swap3A_748 = arith.index_cast %scan3A_734 : i32 to index
        %swap3A_749 = arith.constant 16 : index
        %swap3A_750 = tpu.vector_load %arg10[%swap3A_748, %swap3A_749] {strides = array<i32>} : memref<128x64xf32, #tpu.memory_space<vmem>>, vector<1x16xf32>,
        %swap3A_751 = vector.shape_cast %swap3A_750 : vector<1x16xf32> to vector<16xf32>
        %swap3A_752 = vector.shape_cast %get3A_747 : vector<16xf32> to vector<1x16xf32>
        tpu.vector_store %arg10[%swap3A_748, %swap3A_749], %swap3A_752 {add = true, strides = array<i32>} : memref<128x64xf32, #tpu.memory_space<vmem>>, vector<1x16xf32>,
        %get3A_753 = arith.index_cast %scan3A_734 : i32 to index
        %get3A_754 = arith.constant 32 : index
        %get3A_755 = tpu.vector_load %arg8[%get3A_753, %get3A_754] {strides = array<i32>} : memref<128x64xf32, #tpu.memory_space<vmem>>, vector<1x16xf32>,
        %get3A_756 = vector.shape_cast %get3A_755 : vector<1x16xf32> to vector<16xf32>
        %swap3A_757 = arith.index_cast %scan3A_734 : i32 to index
        %swap3A_758 = arith.constant 32 : index
        %swap3A_759 = tpu.vector_load %arg10[%swap3A_757, %swap3A_758] {strides = array<i32>} : memref<128x64xf32, #tpu.memory_space<vmem>>, vector<1x16xf32>,
        %swap3A_760 = vector.shape_cast %swap3A_759 : vector<1x16xf32> to vector<16xf32>
        %swap3A_761 = vector.shape_cast %get3A_756 : vector<16xf32> to vector<1x16xf32>
        tpu.vector_store %arg10[%swap3A_757, %swap3A_758], %swap3A_761 {add = true, strides = array<i32>} : memref<128x64xf32, #tpu.memory_space<vmem>>, vector<1x16xf32>,
        %get3A_762 = arith.index_cast %scan3A_734 : i32 to index
        %get3A_763 = arith.constant 48 : index
        %get3A_764 = tpu.vector_load %arg8[%get3A_762, %get3A_763] {strides = array<i32>} : memref<128x64xf32, #tpu.memory_space<vmem>>, vector<1x16xf32>,
        %get3A_765 = vector.shape_cast %get3A_764 : vector<1x16xf32> to vector<16xf32>
        %swap3A_766 = arith.index_cast %scan3A_734 : i32 to index
        %swap3A_767 = arith.constant 48 : index
        %swap3A_768 = tpu.vector_load %arg10[%swap3A_766, %swap3A_767] {strides = array<i32>} : memref<128x64xf32, #tpu.memory_space<vmem>>, vector<1x16xf32>,
        %swap3A_769 = vector.shape_cast %swap3A_768 : vector<1x16xf32> to vector<16xf32>
        %swap3A_770 = vector.shape_cast %get3A_765 : vector<16xf32> to vector<1x16xf32>
        tpu.vector_store %arg10[%swap3A_766, %swap3A_767], %swap3A_770 {add = true, strides = array<i32>} : memref<128x64xf32, #tpu.memory_space<vmem>>, vector<1x16xf32>,
        %scan3A_771 = arith.constant 1 : i32
        %scan3A_772 = arith.addi %scan3A_734, %scan3A_771 : i32
        %get3A_773 = arith.index_cast %scan3A_772 : i32 to index
        %get3A_774 = arith.constant 0 : index
        %get3A_775 = tpu.vector_load %arg8[%get3A_773, %get3A_774] {strides = array<i32>} : memref<128x64xf32, #tpu.memory_space<vmem>>, vector<1x16xf32>,
        %get3A_776 = vector.shape_cast %get3A_775 : vector<1x16xf32> to vector<16xf32>
        %swap3A_777 = arith.index_cast %scan3A_772 : i32 to index
        %swap3A_778 = arith.constant 0 : index
        %swap3A_779 = tpu.vector_load %arg10[%swap3A_777, %swap3A_778] {strides = array<i32>} : memref<128x64xf32, #tpu.memory_space<vmem>>, vector<1x16xf32>,
        %swap3A_780 = vector.shape_cast %swap3A_779 : vector<1x16xf32> to vector<16xf32>
        %swap3A_781 = vector.shape_cast %get3A_776 : vector<16xf32> to vector<1x16xf32>
        tpu.vector_store %arg10[%swap3A_777, %swap3A_778], %swap3A_781 {add = true, strides = array<i32>} : memref<128x64xf32, #tpu.memory_space<vmem>>, vector<1x16xf32>,
        %get3A_782 = arith.index_cast %scan3A_772 : i32 to index
        %get3A_783 = arith.constant 16 : index
        %get3A_784 = tpu.vector_load %arg8[%get3A_782, %get3A_783] {strides = array<i32>} : memref<128x64xf32, #tpu.memory_space<vmem>>, vector<1x16xf32>,
        %get3A_785 = vector.shape_cast %get3A_784 : vector<1x16xf32> to vector<16xf32>
        %swap3A_786 = arith.index_cast %scan3A_772 : i32 to index
        %swap3A_787 = arith.constant 16 : index
        %swap3A_788 = tpu.vector_load %arg10[%swap3A_786, %swap3A_787] {strides = array<i32>} : memref<128x64xf32, #tpu.memory_space<vmem>>, vector<1x16xf32>,
        %swap3A_789 = vector.shape_cast %swap3A_788 : vector<1x16xf32> to vector<16xf32>
        %swap3A_790 = vector.shape_cast %get3A_785 : vector<16xf32> to vector<1x16xf32>
        tpu.vector_store %arg10[%swap3A_786, %swap3A_787], %swap3A_790 {add = true, strides = array<i32>} : memref<128x64xf32, #tpu.memory_space<vmem>>, vector<1x16xf32>,
        %get3A_791 = arith.index_cast %scan3A_772 : i32 to index
        %get3A_792 = arith.constant 32 : index
        %get3A_793 = tpu.vector_load %arg8[%get3A_791, %get3A_792] {strides = array<i32>} : memref<128x64xf32, #tpu.memory_space<vmem>>, vector<1x16xf32>,
        %get3A_794 = vector.shape_cast %get3A_793 : vector<1x16xf32> to vector<16xf32>
        %swap3A_795 = arith.index_cast %scan3A_772 : i32 to index
        %swap3A_796 = arith.constant 32 : index
        %swap3A_797 = tpu.vector_load %arg10[%swap3A_795, %swap3A_796] {strides = array<i32>} : memref<128x64xf32, #tpu.memory_space<vmem>>, vector<1x16xf32>,
        %swap3A_798 = vector.shape_cast %swap3A_797 : vector<1x16xf32> to vector<16xf32>
        %swap3A_799 = vector.shape_cast %get3A_794 : vector<16xf32> to vector<1x16xf32>
        tpu.vector_store %arg10[%swap3A_795, %swap3A_796], %swap3A_799 {add = true, strides = array<i32>} : memref<128x64xf32, #tpu.memory_space<vmem>>, vector<1x16xf32>,
        %get3A_800 = arith.index_cast %scan3A_772 : i32 to index
        %get3A_801 = arith.constant 48 : index
        %get3A_802 = tpu.vector_load %arg8[%get3A_800, %get3A_801] {strides = array<i32>} : memref<128x64xf32, #tpu.memory_space<vmem>>, vector<1x16xf32>,
        %get3A_803 = vector.shape_cast %get3A_802 : vector<1x16xf32> to vector<16xf32>
        %swap3A_804 = arith.index_cast %scan3A_772 : i32 to index
        %swap3A_805 = arith.constant 48 : index
        %swap3A_806 = tpu.vector_load %arg10[%swap3A_804, %swap3A_805] {strides = array<i32>} : memref<128x64xf32, #tpu.memory_space<vmem>>, vector<1x16xf32>,
        %swap3A_807 = vector.shape_cast %swap3A_806 : vector<1x16xf32> to vector<16xf32>
        %swap3A_808 = vector.shape_cast %get3A_803 : vector<16xf32> to vector<1x16xf32>
        tpu.vector_store %arg10[%swap3A_804, %swap3A_805], %swap3A_808 {add = true, strides = array<i32>} : memref<128x64xf32, #tpu.memory_space<vmem>>, vector<1x16xf32>,
      }
      %scan3A_526 = arith.constant 128 : i32
      %scan3A_527 = arith.constant 0 : i32
      %scan3A_528 = arith.constant 0 : i32
      %scan3A_529 = arith.constant 11 : i32
      %scan3A_530 = arith.addi %scan3A_528, %scan3A_529 : i32
      %scan3A_531 = arith.constant 1 : i32
      scf.for %scan3A_734 = %scan3A_528 to %scan3A_530 step %scan3A_531  : i32 {
        %mul3A_735 = arith.constant 2 : i32
        %mul3A_736 = arith.muli %mul3A_735, %scan3A_734 : i32
        %add3A_737 = arith.constant 3 : i32
        %add3A_738 = arith.addi %mul3A_736, %add3A_737 : i32
        %add3A_739 = arith.constant 0 : i32
        %add3A_740 = arith.addi %mul3A_10, %add3A_739 : i32
        %get3A_741 = arith.index_cast %add3A_738 : i32 to index
        %get3A_742 = arith.index_cast %add3A_740 : i32 to index
        %get3A_743 = tpu.vector_load %arg5[%get3A_741, %get3A_742] {strides = array<i32>} : memref<26x512xi32, #tpu.memory_space<vmem>>, vector<1x16xi32>,
        %get3A_744 = vector.shape_cast %get3A_743 : vector<1x16xi32> to vector<16xi32>
        %max3A_745 = arith.constant 0 : i32
        %max3A_746 = vector.broadcast %max3A_745 : i32 to vector<16xi32>
        %max3A_747 = arith.maxsi %get3A_744, %max3A_746 : vector<16xi32>
        %min3A_748 = arith.constant 99999 : i32
        %min3A_749 = vector.broadcast %min3A_748 : i32 to vector<16xi32>
        %min3A_750 = arith.minsi %max3A_747, %min3A_749 : vector<16xi32>
        %swap3A_751 = arith.constant 0 : i32
        %swap3A_752 = arith.index_cast %swap3A_751 : i32 to index
        %swap3A_753 = arith.constant 0 : index
        %swap3A_754 = tpu.vector_load %arg6[%swap3A_752, %swap3A_753] {strides = array<i32>} : memref<1x128xi32, #tpu.memory_space<vmem>>, vector<1x16xi32>,
        %swap3A_755 = vector.shape_cast %swap3A_754 : vector<1x16xi32> to vector<16xi32>
        %swap3A_756 = vector.shape_cast %min3A_750 : vector<16xi32> to vector<1x16xi32>
        tpu.vector_store %arg6[%swap3A_752, %swap3A_753], %swap3A_756 {strides = array<i32>} : memref<1x128xi32, #tpu.memory_space<vmem>>, vector<1x16xi32>,
        %add3A_757 = arith.constant 16 : i32
        %add3A_758 = arith.addi %mul3A_10, %add3A_757 : i32
        %get3A_759 = arith.index_cast %add3A_738 : i32 to index
        %get3A_760 = arith.index_cast %add3A_758 : i32 to index
        %get3A_761 = tpu.vector_load %arg5[%get3A_759, %get3A_760] {strides = array<i32>} : memref<26x512xi32, #tpu.memory_space<vmem>>, vector<1x16xi32>,
        %get3A_762 = vector.shape_cast %get3A_761 : vector<1x16xi32> to vector<16xi32>
        %max3A_763 = arith.constant 0 : i32
        %max3A_764 = vector.broadcast %max3A_763 : i32 to vector<16xi32>
        %max3A_765 = arith.maxsi %get3A_762, %max3A_764 : vector<16xi32>
        %min3A_766 = arith.constant 99999 : i32
        %min3A_767 = vector.broadcast %min3A_766 : i32 to vector<16xi32>
        %min3A_768 = arith.minsi %max3A_765, %min3A_767 : vector<16xi32>
        %swap3A_769 = arith.constant 0 : i32
        %swap3A_770 = arith.index_cast %swap3A_769 : i32 to index
        %swap3A_771 = arith.constant 16 : index
        %swap3A_772 = tpu.vector_load %arg6[%swap3A_770, %swap3A_771] {strides = array<i32>} : memref<1x128xi32, #tpu.memory_space<vmem>>, vector<1x16xi32>,
        %swap3A_773 = vector.shape_cast %swap3A_772 : vector<1x16xi32> to vector<16xi32>
        %swap3A_774 = vector.shape_cast %min3A_768 : vector<16xi32> to vector<1x16xi32>
        tpu.vector_store %arg6[%swap3A_770, %swap3A_771], %swap3A_774 {strides = array<i32>} : memref<1x128xi32, #tpu.memory_space<vmem>>, vector<1x16xi32>,
        %add3A_775 = arith.constant 32 : i32
        %add3A_776 = arith.addi %mul3A_10, %add3A_775 : i32
        %get3A_777 = arith.index_cast %add3A_738 : i32 to index
        %get3A_778 = arith.index_cast %add3A_776 : i32 to index
        %get3A_779 = tpu.vector_load %arg5[%get3A_777, %get3A_778] {strides = array<i32>} : memref<26x512xi32, #tpu.memory_space<vmem>>, vector<1x16xi32>,
        %get3A_780 = vector.shape_cast %get3A_779 : vector<1x16xi32> to vector<16xi32>
        %max3A_781 = arith.constant 0 : i32
        %max3A_782 = vector.broadcast %max3A_781 : i32 to vector<16xi32>
        %max3A_783 = arith.maxsi %get3A_780, %max3A_782 : vector<16xi32>
        %min3A_784 = arith.constant 99999 : i32
        %min3A_785 = vector.broadcast %min3A_784 : i32 to vector<16xi32>
        %min3A_786 = arith.minsi %max3A_783, %min3A_785 : vector<16xi32>
        %swap3A_787 = arith.constant 0 : i32
        %swap3A_788 = arith.index_cast %swap3A_787 : i32 to index
        %swap3A_789 = arith.constant 32 : index
        %swap3A_790 = tpu.vector_load %arg6[%swap3A_788, %swap3A_789] {strides = array<i32>} : memref<1x128xi32, #tpu.memory_space<vmem>>, vector<1x16xi32>,
        %swap3A_791 = vector.shape_cast %swap3A_790 : vector<1x16xi32> to vector<16xi32>
        %swap3A_792 = vector.shape_cast %min3A_786 : vector<16xi32> to vector<1x16xi32>
        tpu.vector_store %arg6[%swap3A_788, %swap3A_789], %swap3A_792 {strides = array<i32>} : memref<1x128xi32, #tpu.memory_space<vmem>>, vector<1x16xi32>,
        %add3A_793 = arith.constant 48 : i32
        %add3A_794 = arith.addi %mul3A_10, %add3A_793 : i32
        %get3A_795 = arith.index_cast %add3A_738 : i32 to index
        %get3A_796 = arith.index_cast %add3A_794 : i32 to index
        %get3A_797 = tpu.vector_load %arg5[%get3A_795, %get3A_796] {strides = array<i32>} : memref<26x512xi32, #tpu.memory_space<vmem>>, vector<1x16xi32>,
        %get3A_798 = vector.shape_cast %get3A_797 : vector<1x16xi32> to vector<16xi32>
        %max3A_799 = arith.constant 0 : i32
        %max3A_800 = vector.broadcast %max3A_799 : i32 to vector<16xi32>
        %max3A_801 = arith.maxsi %get3A_798, %max3A_800 : vector<16xi32>
        %min3A_802 = arith.constant 99999 : i32
        %min3A_803 = vector.broadcast %min3A_802 : i32 to vector<16xi32>
        %min3A_804 = arith.minsi %max3A_801, %min3A_803 : vector<16xi32>
        %swap3A_805 = arith.constant 0 : i32
        %swap3A_806 = arith.index_cast %swap3A_805 : i32 to index
        %swap3A_807 = arith.constant 48 : index
        %swap3A_808 = tpu.vector_load %arg6[%swap3A_806, %swap3A_807] {strides = array<i32>} : memref<1x128xi32, #tpu.memory_space<vmem>>, vector<1x16xi32>,
        %swap3A_809 = vector.shape_cast %swap3A_808 : vector<1x16xi32> to vector<16xi32>
        %swap3A_810 = vector.shape_cast %min3A_804 : vector<16xi32> to vector<1x16xi32>
        tpu.vector_store %arg6[%swap3A_806, %swap3A_807], %swap3A_810 {strides = array<i32>} : memref<1x128xi32, #tpu.memory_space<vmem>>, vector<1x16xi32>,
        %add3A_811 = arith.constant 64 : i32
        %add3A_812 = arith.addi %mul3A_10, %add3A_811 : i32
        %get3A_813 = arith.index_cast %add3A_738 : i32 to index
        %get3A_814 = arith.index_cast %add3A_812 : i32 to index
        %get3A_815 = tpu.vector_load %arg5[%get3A_813, %get3A_814] {strides = array<i32>} : memref<26x512xi32, #tpu.memory_space<vmem>>, vector<1x16xi32>,
        %get3A_816 = vector.shape_cast %get3A_815 : vector<1x16xi32> to vector<16xi32>
        %max3A_817 = arith.constant 0 : i32
        %max3A_818 = vector.broadcast %max3A_817 : i32 to vector<16xi32>
        %max3A_819 = arith.maxsi %get3A_816, %max3A_818 : vector<16xi32>
        %min3A_820 = arith.constant 99999 : i32
        %min3A_821 = vector.broadcast %min3A_820 : i32 to vector<16xi32>
        %min3A_822 = arith.minsi %max3A_819, %min3A_821 : vector<16xi32>
        %swap3A_823 = arith.constant 0 : i32
        %swap3A_824 = arith.index_cast %swap3A_823 : i32 to index
        %swap3A_825 = arith.constant 64 : index
        %swap3A_826 = tpu.vector_load %arg6[%swap3A_824, %swap3A_825] {strides = array<i32>} : memref<1x128xi32, #tpu.memory_space<vmem>>, vector<1x16xi32>,
        %swap3A_827 = vector.shape_cast %swap3A_826 : vector<1x16xi32> to vector<16xi32>
        %swap3A_828 = vector.shape_cast %min3A_822 : vector<16xi32> to vector<1x16xi32>
        tpu.vector_store %arg6[%swap3A_824, %swap3A_825], %swap3A_828 {strides = array<i32>} : memref<1x128xi32, #tpu.memory_space<vmem>>, vector<1x16xi32>,
        %add3A_829 = arith.constant 80 : i32
        %add3A_830 = arith.addi %mul3A_10, %add3A_829 : i32
        %get3A_831 = arith.index_cast %add3A_738 : i32 to index
        %get3A_832 = arith.index_cast %add3A_830 : i32 to index
        %get3A_833 = tpu.vector_load %arg5[%get3A_831, %get3A_832] {strides = array<i32>} : memref<26x512xi32, #tpu.memory_space<vmem>>, vector<1x16xi32>,
        %get3A_834 = vector.shape_cast %get3A_833 : vector<1x16xi32> to vector<16xi32>
        %max3A_835 = arith.constant 0 : i32
        %max3A_836 = vector.broadcast %max3A_835 : i32 to vector<16xi32>
        %max3A_837 = arith.maxsi %get3A_834, %max3A_836 : vector<16xi32>
        %min3A_838 = arith.constant 99999 : i32
        %min3A_839 = vector.broadcast %min3A_838 : i32 to vector<16xi32>
        %min3A_840 = arith.minsi %max3A_837, %min3A_839 : vector<16xi32>
        %swap3A_841 = arith.constant 0 : i32
        %swap3A_842 = arith.index_cast %swap3A_841 : i32 to index
        %swap3A_843 = arith.constant 80 : index
        %swap3A_844 = tpu.vector_load %arg6[%swap3A_842, %swap3A_843] {strides = array<i32>} : memref<1x128xi32, #tpu.memory_space<vmem>>, vector<1x16xi32>,
        %swap3A_845 = vector.shape_cast %swap3A_844 : vector<1x16xi32> to vector<16xi32>
        %swap3A_846 = vector.shape_cast %min3A_840 : vector<16xi32> to vector<1x16xi32>
        tpu.vector_store %arg6[%swap3A_842, %swap3A_843], %swap3A_846 {strides = array<i32>} : memref<1x128xi32, #tpu.memory_space<vmem>>, vector<1x16xi32>,
        %add3A_847 = arith.constant 96 : i32
        %add3A_848 = arith.addi %mul3A_10, %add3A_847 : i32
        %get3A_849 = arith.index_cast %add3A_738 : i32 to index
        %get3A_850 = arith.index_cast %add3A_848 : i32 to index
        %get3A_851 = tpu.vector_load %arg5[%get3A_849, %get3A_850] {strides = array<i32>} : memref<26x512xi32, #tpu.memory_space<vmem>>, vector<1x16xi32>,
        %get3A_852 = vector.shape_cast %get3A_851 : vector<1x16xi32> to vector<16xi32>
        %max3A_853 = arith.constant 0 : i32
        %max3A_854 = vector.broadcast %max3A_853 : i32 to vector<16xi32>
        %max3A_855 = arith.maxsi %get3A_852, %max3A_854 : vector<16xi32>
        %min3A_856 = arith.constant 99999 : i32
        %min3A_857 = vector.broadcast %min3A_856 : i32 to vector<16xi32>
        %min3A_858 = arith.minsi %max3A_855, %min3A_857 : vector<16xi32>
        %swap3A_859 = arith.constant 0 : i32
        %swap3A_860 = arith.index_cast %swap3A_859 : i32 to index
        %swap3A_861 = arith.constant 96 : index
        %swap3A_862 = tpu.vector_load %arg6[%swap3A_860, %swap3A_861] {strides = array<i32>} : memref<1x128xi32, #tpu.memory_space<vmem>>, vector<1x16xi32>,
        %swap3A_863 = vector.shape_cast %swap3A_862 : vector<1x16xi32> to vector<16xi32>
        %swap3A_864 = vector.shape_cast %min3A_858 : vector<16xi32> to vector<1x16xi32>
        tpu.vector_store %arg6[%swap3A_860, %swap3A_861], %swap3A_864 {strides = array<i32>} : memref<1x128xi32, #tpu.memory_space<vmem>>, vector<1x16xi32>,
        %add3A_865 = arith.constant 112 : i32
        %add3A_866 = arith.addi %mul3A_10, %add3A_865 : i32
        %get3A_867 = arith.index_cast %add3A_738 : i32 to index
        %get3A_868 = arith.index_cast %add3A_866 : i32 to index
        %get3A_869 = tpu.vector_load %arg5[%get3A_867, %get3A_868] {strides = array<i32>} : memref<26x512xi32, #tpu.memory_space<vmem>>, vector<1x16xi32>,
        %get3A_870 = vector.shape_cast %get3A_869 : vector<1x16xi32> to vector<16xi32>
        %max3A_871 = arith.constant 0 : i32
        %max3A_872 = vector.broadcast %max3A_871 : i32 to vector<16xi32>
        %max3A_873 = arith.maxsi %get3A_870, %max3A_872 : vector<16xi32>
        %min3A_874 = arith.constant 99999 : i32
        %min3A_875 = vector.broadcast %min3A_874 : i32 to vector<16xi32>
        %min3A_876 = arith.minsi %max3A_873, %min3A_875 : vector<16xi32>
        %swap3A_877 = arith.constant 0 : i32
        %swap3A_878 = arith.index_cast %swap3A_877 : i32 to index
        %swap3A_879 = arith.constant 112 : index
        %swap3A_880 = tpu.vector_load %arg6[%swap3A_878, %swap3A_879] {strides = array<i32>} : memref<1x128xi32, #tpu.memory_space<vmem>>, vector<1x16xi32>,
        %swap3A_881 = vector.shape_cast %swap3A_880 : vector<1x16xi32> to vector<16xi32>
        %swap3A_882 = vector.shape_cast %min3A_876 : vector<16xi32> to vector<1x16xi32>
        tpu.vector_store %arg6[%swap3A_878, %swap3A_879], %swap3A_882 {strides = array<i32>} : memref<1x128xi32, #tpu.memory_space<vmem>>, vector<1x16xi32>,
        %dma_start3A_883 = arith.constant 0 : i32
        %dma_start3A_884 = arith.constant 0 : i32
        %dma_start3A_885 = tpu.memref_slice %arg6[%dma_start3A_883, %dma_start3A_884] : memref<1x128xi32, #tpu.memory_space<vmem>> -> memref<1x128xi32, #tpu.memory_space<vmem>>
        %dma_start3A_886 = tpu.memref_squeeze %dma_start3A_885 : memref<1x128xi32, #tpu.memory_space<vmem>> -> memref<128xi32, #tpu.memory_space<vmem>>
        %dma_start3A_887 = arith.constant 0 : i32
        %dma_start3A_888 = arith.constant 0 : i32
        %dma_start3A_889 = tpu.memref_slice %arg3[%add3A_738, %dma_start3A_887, %dma_start3A_888] : memref<26x100000x64xf32, #tpu.memory_space<hbm>> -> memref<1x100000x64xf32, #tpu.memory_space<hbm>>
        %dma_start3A_890 = tpu.memref_squeeze %dma_start3A_889 : memref<1x100000x64xf32, #tpu.memory_space<hbm>> -> memref<100000x64xf32, #tpu.memory_space<hbm>>
        %dma_start3A_891 = arith.constant 0 : i32
        %dma_start3A_892 = arith.constant 0 : i32
        %dma_start3A_893 = tpu.memref_slice %dma_start3A_890[%dma_start3A_891, %dma_start3A_892] : memref<100000x64xf32, #tpu.memory_space<hbm>> -> memref<100000x64xf32, #tpu.memory_space<hbm>>
        tpu.enqueue_indirect_dma source(%dma_start3A_893 : memref<100000x64xf32, #tpu.memory_space<hbm>>) target(%arg8 : memref<128x64xf32, #tpu.memory_space<vmem>>) offsets(%dma_start3A_886 : memref<128xi32, #tpu.memory_space<vmem>>) semaphore(%arg11 : memref<!tpu.dma_semaphore, #tpu.memory_space<semaphore_mem>>)
        %dma_wait3A_894 = arith.constant 0 : i32
        %dma_wait3A_895 = arith.constant 0 : i32
        %dma_wait3A_896 = arith.constant 0 : i32
        %dma_wait3A_897 = tpu.memref_slice %arg7[%dma_wait3A_895, %dma_wait3A_896] : memref<1x128xi32, #tpu.memory_space<vmem>> -> memref<1x128xi32, #tpu.memory_space<vmem>>
        %dma_wait3A_898 = tpu.memref_squeeze %dma_wait3A_897 : memref<1x128xi32, #tpu.memory_space<vmem>> -> memref<128xi32, #tpu.memory_space<vmem>>
        %dma_wait3A_899 = arith.constant 0 : i32
        %dma_wait3A_900 = arith.constant 0 : i32
        %dma_wait3A_901 = tpu.memref_slice %arg3[%dma_wait3A_894, %dma_wait3A_899, %dma_wait3A_900] : memref<26x100000x64xf32, #tpu.memory_space<hbm>> -> memref<1x100000x64xf32, #tpu.memory_space<hbm>>
        %dma_wait3A_902 = tpu.memref_squeeze %dma_wait3A_901 : memref<1x100000x64xf32, #tpu.memory_space<hbm>> -> memref<100000x64xf32, #tpu.memory_space<hbm>>
        %dma_wait3A_903 = arith.constant 0 : i32
        %dma_wait3A_904 = arith.constant 0 : i32
        %dma_wait3A_905 = tpu.memref_slice %dma_wait3A_902[%dma_wait3A_903, %dma_wait3A_904] : memref<100000x64xf32, #tpu.memory_space<hbm>> -> memref<100000x64xf32, #tpu.memory_space<hbm>>
        tpu.wait_indirect_dma semaphore(%arg12 : memref<!tpu.dma_semaphore, #tpu.memory_space<semaphore_mem>>) src(%dma_wait3A_905 : memref<100000x64xf32, #tpu.memory_space<hbm>>) dst(%arg9 : memref<128x64xf32, #tpu.memory_space<vmem>>)
        %scan3A_906 = arith.constant 0 : i32
        %scan3A_907 = arith.constant 0 : i32
        %scan3A_908 = arith.constant 128 : i32
        %scan3A_909 = arith.addi %scan3A_907, %scan3A_908 : i32
        %scan3A_910 = arith.constant 2 : i32
        scf.for %scan3A_1089 = %scan3A_907 to %scan3A_909 step %scan3A_910  : i32 {
          %get3A_1090 = arith.index_cast %scan3A_1089 : i32 to index
          %get3A_1091 = arith.constant 0 : index
          %get3A_1092 = tpu.vector_load %arg9[%get3A_1090, %get3A_1091] {strides = array<i32>} : memref<128x64xf32, #tpu.memory_space<vmem>>, vector<1x16xf32>,
          %get3A_1093 = vector.shape_cast %get3A_1092 : vector<1x16xf32> to vector<16xf32>
          %swap3A_1094 = arith.index_cast %scan3A_1089 : i32 to index
          %swap3A_1095 = arith.constant 0 : index
          %swap3A_1096 = tpu.vector_load %arg10[%swap3A_1094, %swap3A_1095] {strides = array<i32>} : memref<128x64xf32, #tpu.memory_space<vmem>>, vector<1x16xf32>,
          %swap3A_1097 = vector.shape_cast %swap3A_1096 : vector<1x16xf32> to vector<16xf32>
          %swap3A_1098 = vector.shape_cast %get3A_1093 : vector<16xf32> to vector<1x16xf32>
          tpu.vector_store %arg10[%swap3A_1094, %swap3A_1095], %swap3A_1098 {add = true, strides = array<i32>} : memref<128x64xf32, #tpu.memory_space<vmem>>, vector<1x16xf32>,
          %get3A_1099 = arith.index_cast %scan3A_1089 : i32 to index
          %get3A_1100 = arith.constant 16 : index
          %get3A_1101 = tpu.vector_load %arg9[%get3A_1099, %get3A_1100] {strides = array<i32>} : memref<128x64xf32, #tpu.memory_space<vmem>>, vector<1x16xf32>,
          %get3A_1102 = vector.shape_cast %get3A_1101 : vector<1x16xf32> to vector<16xf32>
          %swap3A_1103 = arith.index_cast %scan3A_1089 : i32 to index
          %swap3A_1104 = arith.constant 16 : index
          %swap3A_1105 = tpu.vector_load %arg10[%swap3A_1103, %swap3A_1104] {strides = array<i32>} : memref<128x64xf32, #tpu.memory_space<vmem>>, vector<1x16xf32>,
          %swap3A_1106 = vector.shape_cast %swap3A_1105 : vector<1x16xf32> to vector<16xf32>
          %swap3A_1107 = vector.shape_cast %get3A_1102 : vector<16xf32> to vector<1x16xf32>
          tpu.vector_store %arg10[%swap3A_1103, %swap3A_1104], %swap3A_1107 {add = true, strides = array<i32>} : memref<128x64xf32, #tpu.memory_space<vmem>>, vector<1x16xf32>,
          %get3A_1108 = arith.index_cast %scan3A_1089 : i32 to index
          %get3A_1109 = arith.constant 32 : index
          %get3A_1110 = tpu.vector_load %arg9[%get3A_1108, %get3A_1109] {strides = array<i32>} : memref<128x64xf32, #tpu.memory_space<vmem>>, vector<1x16xf32>,
          %get3A_1111 = vector.shape_cast %get3A_1110 : vector<1x16xf32> to vector<16xf32>
          %swap3A_1112 = arith.index_cast %scan3A_1089 : i32 to index
          %swap3A_1113 = arith.constant 32 : index
          %swap3A_1114 = tpu.vector_load %arg10[%swap3A_1112, %swap3A_1113] {strides = array<i32>} : memref<128x64xf32, #tpu.memory_space<vmem>>, vector<1x16xf32>,
          %swap3A_1115 = vector.shape_cast %swap3A_1114 : vector<1x16xf32> to vector<16xf32>
          %swap3A_1116 = vector.shape_cast %get3A_1111 : vector<16xf32> to vector<1x16xf32>
          tpu.vector_store %arg10[%swap3A_1112, %swap3A_1113], %swap3A_1116 {add = true, strides = array<i32>} : memref<128x64xf32, #tpu.memory_space<vmem>>, vector<1x16xf32>,
          %get3A_1117 = arith.index_cast %scan3A_1089 : i32 to index
          %get3A_1118 = arith.constant 48 : index
          %get3A_1119 = tpu.vector_load %arg9[%get3A_1117, %get3A_1118] {strides = array<i32>} : memref<128x64xf32, #tpu.memory_space<vmem>>, vector<1x16xf32>,
          %get3A_1120 = vector.shape_cast %get3A_1119 : vector<1x16xf32> to vector<16xf32>
          %swap3A_1121 = arith.index_cast %scan3A_1089 : i32 to index
          %swap3A_1122 = arith.constant 48 : index
          %swap3A_1123 = tpu.vector_load %arg10[%swap3A_1121, %swap3A_1122] {strides = array<i32>} : memref<128x64xf32, #tpu.memory_space<vmem>>, vector<1x16xf32>,
          %swap3A_1124 = vector.shape_cast %swap3A_1123 : vector<1x16xf32> to vector<16xf32>
          %swap3A_1125 = vector.shape_cast %get3A_1120 : vector<16xf32> to vector<1x16xf32>
          tpu.vector_store %arg10[%swap3A_1121, %swap3A_1122], %swap3A_1125 {add = true, strides = array<i32>} : memref<128x64xf32, #tpu.memory_space<vmem>>, vector<1x16xf32>,
          %scan3A_1126 = arith.constant 1 : i32
          %scan3A_1127 = arith.addi %scan3A_1089, %scan3A_1126 : i32
          %get3A_1128 = arith.index_cast %scan3A_1127 : i32 to index
          %get3A_1129 = arith.constant 0 : index
          %get3A_1130 = tpu.vector_load %arg9[%get3A_1128, %get3A_1129] {strides = array<i32>} : memref<128x64xf32, #tpu.memory_space<vmem>>, vector<1x16xf32>,
          %get3A_1131 = vector.shape_cast %get3A_1130 : vector<1x16xf32> to vector<16xf32>
          %swap3A_1132 = arith.index_cast %scan3A_1127 : i32 to index
          %swap3A_1133 = arith.constant 0 : index
          %swap3A_1134 = tpu.vector_load %arg10[%swap3A_1132, %swap3A_1133] {strides = array<i32>} : memref<128x64xf32, #tpu.memory_space<vmem>>, vector<1x16xf32>,
          %swap3A_1135 = vector.shape_cast %swap3A_1134 : vector<1x16xf32> to vector<16xf32>
          %swap3A_1136 = vector.shape_cast %get3A_1131 : vector<16xf32> to vector<1x16xf32>
          tpu.vector_store %arg10[%swap3A_1132, %swap3A_1133], %swap3A_1136 {add = true, strides = array<i32>} : memref<128x64xf32, #tpu.memory_space<vmem>>, vector<1x16xf32>,
          %get3A_1137 = arith.index_cast %scan3A_1127 : i32 to index
          %get3A_1138 = arith.constant 16 : index
          %get3A_1139 = tpu.vector_load %arg9[%get3A_1137, %get3A_1138] {strides = array<i32>} : memref<128x64xf32, #tpu.memory_space<vmem>>, vector<1x16xf32>,
          %get3A_1140 = vector.shape_cast %get3A_1139 : vector<1x16xf32> to vector<16xf32>
          %swap3A_1141 = arith.index_cast %scan3A_1127 : i32 to index
          %swap3A_1142 = arith.constant 16 : index
          %swap3A_1143 = tpu.vector_load %arg10[%swap3A_1141, %swap3A_1142] {strides = array<i32>} : memref<128x64xf32, #tpu.memory_space<vmem>>, vector<1x16xf32>,
          %swap3A_1144 = vector.shape_cast %swap3A_1143 : vector<1x16xf32> to vector<16xf32>
          %swap3A_1145 = vector.shape_cast %get3A_1140 : vector<16xf32> to vector<1x16xf32>
          tpu.vector_store %arg10[%swap3A_1141, %swap3A_1142], %swap3A_1145 {add = true, strides = array<i32>} : memref<128x64xf32, #tpu.memory_space<vmem>>, vector<1x16xf32>,
          %get3A_1146 = arith.index_cast %scan3A_1127 : i32 to index
          %get3A_1147 = arith.constant 32 : index
          %get3A_1148 = tpu.vector_load %arg9[%get3A_1146, %get3A_1147] {strides = array<i32>} : memref<128x64xf32, #tpu.memory_space<vmem>>, vector<1x16xf32>,
          %get3A_1149 = vector.shape_cast %get3A_1148 : vector<1x16xf32> to vector<16xf32>
          %swap3A_1150 = arith.index_cast %scan3A_1127 : i32 to index
          %swap3A_1151 = arith.constant 32 : index
          %swap3A_1152 = tpu.vector_load %arg10[%swap3A_1150, %swap3A_1151] {strides = array<i32>} : memref<128x64xf32, #tpu.memory_space<vmem>>, vector<1x16xf32>,
          %swap3A_1153 = vector.shape_cast %swap3A_1152 : vector<1x16xf32> to vector<16xf32>
          %swap3A_1154 = vector.shape_cast %get3A_1149 : vector<16xf32> to vector<1x16xf32>
          tpu.vector_store %arg10[%swap3A_1150, %swap3A_1151], %swap3A_1154 {add = true, strides = array<i32>} : memref<128x64xf32, #tpu.memory_space<vmem>>, vector<1x16xf32>,
          %get3A_1155 = arith.index_cast %scan3A_1127 : i32 to index
          %get3A_1156 = arith.constant 48 : index
          %get3A_1157 = tpu.vector_load %arg9[%get3A_1155, %get3A_1156] {strides = array<i32>} : memref<128x64xf32, #tpu.memory_space<vmem>>, vector<1x16xf32>,
          %get3A_1158 = vector.shape_cast %get3A_1157 : vector<1x16xf32> to vector<16xf32>
          %swap3A_1159 = arith.index_cast %scan3A_1127 : i32 to index
          %swap3A_1160 = arith.constant 48 : index
          %swap3A_1161 = tpu.vector_load %arg10[%swap3A_1159, %swap3A_1160] {strides = array<i32>} : memref<128x64xf32, #tpu.memory_space<vmem>>, vector<1x16xf32>,
          %swap3A_1162 = vector.shape_cast %swap3A_1161 : vector<1x16xf32> to vector<16xf32>
          %swap3A_1163 = vector.shape_cast %get3A_1158 : vector<16xf32> to vector<1x16xf32>
          tpu.vector_store %arg10[%swap3A_1159, %swap3A_1160], %swap3A_1163 {add = true, strides = array<i32>} : memref<128x64xf32, #tpu.memory_space<vmem>>, vector<1x16xf32>,
        }
        %scan3A_911 = arith.constant 128 : i32
        %add3A_912 = arith.constant 1 : i32
        %add3A_913 = arith.addi %add3A_738, %add3A_912 : i32
        %add3A_914 = arith.constant 0 : i32
        %add3A_915 = arith.addi %mul3A_10, %add3A_914 : i32
        %get3A_916 = arith.index_cast %add3A_913 : i32 to index
        %get3A_917 = arith.index_cast %add3A_915 : i32 to index
        %get3A_918 = tpu.vector_load %arg5[%get3A_916, %get3A_917] {strides = array<i32>} : memref<26x512xi32, #tpu.memory_space<vmem>>, vector<1x16xi32>,
        %get3A_919 = vector.shape_cast %get3A_918 : vector<1x16xi32> to vector<16xi32>
        %max3A_920 = arith.constant 0 : i32
        %max3A_921 = vector.broadcast %max3A_920 : i32 to vector<16xi32>
        %max3A_922 = arith.maxsi %get3A_919, %max3A_921 : vector<16xi32>
        %min3A_923 = arith.constant 99999 : i32
        %min3A_924 = vector.broadcast %min3A_923 : i32 to vector<16xi32>
        %min3A_925 = arith.minsi %max3A_922, %min3A_924 : vector<16xi32>
        %swap3A_926 = arith.constant 0 : i32
        %swap3A_927 = arith.index_cast %swap3A_926 : i32 to index
        %swap3A_928 = arith.constant 0 : index
        %swap3A_929 = tpu.vector_load %arg7[%swap3A_927, %swap3A_928] {strides = array<i32>} : memref<1x128xi32, #tpu.memory_space<vmem>>, vector<1x16xi32>,
        %swap3A_930 = vector.shape_cast %swap3A_929 : vector<1x16xi32> to vector<16xi32>
        %swap3A_931 = vector.shape_cast %min3A_925 : vector<16xi32> to vector<1x16xi32>
        tpu.vector_store %arg7[%swap3A_927, %swap3A_928], %swap3A_931 {strides = array<i32>} : memref<1x128xi32, #tpu.memory_space<vmem>>, vector<1x16xi32>,
        %add3A_932 = arith.constant 16 : i32
        %add3A_933 = arith.addi %mul3A_10, %add3A_932 : i32
        %get3A_934 = arith.index_cast %add3A_913 : i32 to index
        %get3A_935 = arith.index_cast %add3A_933 : i32 to index
        %get3A_936 = tpu.vector_load %arg5[%get3A_934, %get3A_935] {strides = array<i32>} : memref<26x512xi32, #tpu.memory_space<vmem>>, vector<1x16xi32>,
        %get3A_937 = vector.shape_cast %get3A_936 : vector<1x16xi32> to vector<16xi32>
        %max3A_938 = arith.constant 0 : i32
        %max3A_939 = vector.broadcast %max3A_938 : i32 to vector<16xi32>
        %max3A_940 = arith.maxsi %get3A_937, %max3A_939 : vector<16xi32>
        %min3A_941 = arith.constant 99999 : i32
        %min3A_942 = vector.broadcast %min3A_941 : i32 to vector<16xi32>
        %min3A_943 = arith.minsi %max3A_940, %min3A_942 : vector<16xi32>
        %swap3A_944 = arith.constant 0 : i32
        %swap3A_945 = arith.index_cast %swap3A_944 : i32 to index
        %swap3A_946 = arith.constant 16 : index
        %swap3A_947 = tpu.vector_load %arg7[%swap3A_945, %swap3A_946] {strides = array<i32>} : memref<1x128xi32, #tpu.memory_space<vmem>>, vector<1x16xi32>,
        %swap3A_948 = vector.shape_cast %swap3A_947 : vector<1x16xi32> to vector<16xi32>
        %swap3A_949 = vector.shape_cast %min3A_943 : vector<16xi32> to vector<1x16xi32>
        tpu.vector_store %arg7[%swap3A_945, %swap3A_946], %swap3A_949 {strides = array<i32>} : memref<1x128xi32, #tpu.memory_space<vmem>>, vector<1x16xi32>,
        %add3A_950 = arith.constant 32 : i32
        %add3A_951 = arith.addi %mul3A_10, %add3A_950 : i32
        %get3A_952 = arith.index_cast %add3A_913 : i32 to index
        %get3A_953 = arith.index_cast %add3A_951 : i32 to index
        %get3A_954 = tpu.vector_load %arg5[%get3A_952, %get3A_953] {strides = array<i32>} : memref<26x512xi32, #tpu.memory_space<vmem>>, vector<1x16xi32>,
        %get3A_955 = vector.shape_cast %get3A_954 : vector<1x16xi32> to vector<16xi32>
        %max3A_956 = arith.constant 0 : i32
        %max3A_957 = vector.broadcast %max3A_956 : i32 to vector<16xi32>
        %max3A_958 = arith.maxsi %get3A_955, %max3A_957 : vector<16xi32>
        %min3A_959 = arith.constant 99999 : i32
        %min3A_960 = vector.broadcast %min3A_959 : i32 to vector<16xi32>
        %min3A_961 = arith.minsi %max3A_958, %min3A_960 : vector<16xi32>
        %swap3A_962 = arith.constant 0 : i32
        %swap3A_963 = arith.index_cast %swap3A_962 : i32 to index
        %swap3A_964 = arith.constant 32 : index
        %swap3A_965 = tpu.vector_load %arg7[%swap3A_963, %swap3A_964] {strides = array<i32>} : memref<1x128xi32, #tpu.memory_space<vmem>>, vector<1x16xi32>,
        %swap3A_966 = vector.shape_cast %swap3A_965 : vector<1x16xi32> to vector<16xi32>
        %swap3A_967 = vector.shape_cast %min3A_961 : vector<16xi32> to vector<1x16xi32>
        tpu.vector_store %arg7[%swap3A_963, %swap3A_964], %swap3A_967 {strides = array<i32>} : memref<1x128xi32, #tpu.memory_space<vmem>>, vector<1x16xi32>,
        %add3A_968 = arith.constant 48 : i32
        %add3A_969 = arith.addi %mul3A_10, %add3A_968 : i32
        %get3A_970 = arith.index_cast %add3A_913 : i32 to index
        %get3A_971 = arith.index_cast %add3A_969 : i32 to index
        %get3A_972 = tpu.vector_load %arg5[%get3A_970, %get3A_971] {strides = array<i32>} : memref<26x512xi32, #tpu.memory_space<vmem>>, vector<1x16xi32>,
        %get3A_973 = vector.shape_cast %get3A_972 : vector<1x16xi32> to vector<16xi32>
        %max3A_974 = arith.constant 0 : i32
        %max3A_975 = vector.broadcast %max3A_974 : i32 to vector<16xi32>
        %max3A_976 = arith.maxsi %get3A_973, %max3A_975 : vector<16xi32>
        %min3A_977 = arith.constant 99999 : i32
        %min3A_978 = vector.broadcast %min3A_977 : i32 to vector<16xi32>
        %min3A_979 = arith.minsi %max3A_976, %min3A_978 : vector<16xi32>
        %swap3A_980 = arith.constant 0 : i32
        %swap3A_981 = arith.index_cast %swap3A_980 : i32 to index
        %swap3A_982 = arith.constant 48 : index
        %swap3A_983 = tpu.vector_load %arg7[%swap3A_981, %swap3A_982] {strides = array<i32>} : memref<1x128xi32, #tpu.memory_space<vmem>>, vector<1x16xi32>,
        %swap3A_984 = vector.shape_cast %swap3A_983 : vector<1x16xi32> to vector<16xi32>
        %swap3A_985 = vector.shape_cast %min3A_979 : vector<16xi32> to vector<1x16xi32>
        tpu.vector_store %arg7[%swap3A_981, %swap3A_982], %swap3A_985 {strides = array<i32>} : memref<1x128xi32, #tpu.memory_space<vmem>>, vector<1x16xi32>,
        %add3A_986 = arith.constant 64 : i32
        %add3A_987 = arith.addi %mul3A_10, %add3A_986 : i32
        %get3A_988 = arith.index_cast %add3A_913 : i32 to index
        %get3A_989 = arith.index_cast %add3A_987 : i32 to index
        %get3A_990 = tpu.vector_load %arg5[%get3A_988, %get3A_989] {strides = array<i32>} : memref<26x512xi32, #tpu.memory_space<vmem>>, vector<1x16xi32>,
        %get3A_991 = vector.shape_cast %get3A_990 : vector<1x16xi32> to vector<16xi32>
        %max3A_992 = arith.constant 0 : i32
        %max3A_993 = vector.broadcast %max3A_992 : i32 to vector<16xi32>
        %max3A_994 = arith.maxsi %get3A_991, %max3A_993 : vector<16xi32>
        %min3A_995 = arith.constant 99999 : i32
        %min3A_996 = vector.broadcast %min3A_995 : i32 to vector<16xi32>
        %min3A_997 = arith.minsi %max3A_994, %min3A_996 : vector<16xi32>
        %swap3A_998 = arith.constant 0 : i32
        %swap3A_999 = arith.index_cast %swap3A_998 : i32 to index
        %swap3A_1000 = arith.constant 64 : index
        %swap3A_1001 = tpu.vector_load %arg7[%swap3A_999, %swap3A_1000] {strides = array<i32>} : memref<1x128xi32, #tpu.memory_space<vmem>>, vector<1x16xi32>,
        %swap3A_1002 = vector.shape_cast %swap3A_1001 : vector<1x16xi32> to vector<16xi32>
        %swap3A_1003 = vector.shape_cast %min3A_997 : vector<16xi32> to vector<1x16xi32>
        tpu.vector_store %arg7[%swap3A_999, %swap3A_1000], %swap3A_1003 {strides = array<i32>} : memref<1x128xi32, #tpu.memory_space<vmem>>, vector<1x16xi32>,
        %add3A_1004 = arith.constant 80 : i32
        %add3A_1005 = arith.addi %mul3A_10, %add3A_1004 : i32
        %get3A_1006 = arith.index_cast %add3A_913 : i32 to index
        %get3A_1007 = arith.index_cast %add3A_1005 : i32 to index
        %get3A_1008 = tpu.vector_load %arg5[%get3A_1006, %get3A_1007] {strides = array<i32>} : memref<26x512xi32, #tpu.memory_space<vmem>>, vector<1x16xi32>,
        %get3A_1009 = vector.shape_cast %get3A_1008 : vector<1x16xi32> to vector<16xi32>
        %max3A_1010 = arith.constant 0 : i32
        %max3A_1011 = vector.broadcast %max3A_1010 : i32 to vector<16xi32>
        %max3A_1012 = arith.maxsi %get3A_1009, %max3A_1011 : vector<16xi32>
        %min3A_1013 = arith.constant 99999 : i32
        %min3A_1014 = vector.broadcast %min3A_1013 : i32 to vector<16xi32>
        %min3A_1015 = arith.minsi %max3A_1012, %min3A_1014 : vector<16xi32>
        %swap3A_1016 = arith.constant 0 : i32
        %swap3A_1017 = arith.index_cast %swap3A_1016 : i32 to index
        %swap3A_1018 = arith.constant 80 : index
        %swap3A_1019 = tpu.vector_load %arg7[%swap3A_1017, %swap3A_1018] {strides = array<i32>} : memref<1x128xi32, #tpu.memory_space<vmem>>, vector<1x16xi32>,
        %swap3A_1020 = vector.shape_cast %swap3A_1019 : vector<1x16xi32> to vector<16xi32>
        %swap3A_1021 = vector.shape_cast %min3A_1015 : vector<16xi32> to vector<1x16xi32>
        tpu.vector_store %arg7[%swap3A_1017, %swap3A_1018], %swap3A_1021 {strides = array<i32>} : memref<1x128xi32, #tpu.memory_space<vmem>>, vector<1x16xi32>,
        %add3A_1022 = arith.constant 96 : i32
        %add3A_1023 = arith.addi %mul3A_10, %add3A_1022 : i32
        %get3A_1024 = arith.index_cast %add3A_913 : i32 to index
        %get3A_1025 = arith.index_cast %add3A_1023 : i32 to index
        %get3A_1026 = tpu.vector_load %arg5[%get3A_1024, %get3A_1025] {strides = array<i32>} : memref<26x512xi32, #tpu.memory_space<vmem>>, vector<1x16xi32>,
        %get3A_1027 = vector.shape_cast %get3A_1026 : vector<1x16xi32> to vector<16xi32>
        %max3A_1028 = arith.constant 0 : i32
        %max3A_1029 = vector.broadcast %max3A_1028 : i32 to vector<16xi32>
        %max3A_1030 = arith.maxsi %get3A_1027, %max3A_1029 : vector<16xi32>
        %min3A_1031 = arith.constant 99999 : i32
        %min3A_1032 = vector.broadcast %min3A_1031 : i32 to vector<16xi32>
        %min3A_1033 = arith.minsi %max3A_1030, %min3A_1032 : vector<16xi32>
        %swap3A_1034 = arith.constant 0 : i32
        %swap3A_1035 = arith.index_cast %swap3A_1034 : i32 to index
        %swap3A_1036 = arith.constant 96 : index
        %swap3A_1037 = tpu.vector_load %arg7[%swap3A_1035, %swap3A_1036] {strides = array<i32>} : memref<1x128xi32, #tpu.memory_space<vmem>>, vector<1x16xi32>,
        %swap3A_1038 = vector.shape_cast %swap3A_1037 : vector<1x16xi32> to vector<16xi32>
        %swap3A_1039 = vector.shape_cast %min3A_1033 : vector<16xi32> to vector<1x16xi32>
        tpu.vector_store %arg7[%swap3A_1035, %swap3A_1036], %swap3A_1039 {strides = array<i32>} : memref<1x128xi32, #tpu.memory_space<vmem>>, vector<1x16xi32>,
        %add3A_1040 = arith.constant 112 : i32
        %add3A_1041 = arith.addi %mul3A_10, %add3A_1040 : i32
        %get3A_1042 = arith.index_cast %add3A_913 : i32 to index
        %get3A_1043 = arith.index_cast %add3A_1041 : i32 to index
        %get3A_1044 = tpu.vector_load %arg5[%get3A_1042, %get3A_1043] {strides = array<i32>} : memref<26x512xi32, #tpu.memory_space<vmem>>, vector<1x16xi32>,
        %get3A_1045 = vector.shape_cast %get3A_1044 : vector<1x16xi32> to vector<16xi32>
        %max3A_1046 = arith.constant 0 : i32
        %max3A_1047 = vector.broadcast %max3A_1046 : i32 to vector<16xi32>
        %max3A_1048 = arith.maxsi %get3A_1045, %max3A_1047 : vector<16xi32>
        %min3A_1049 = arith.constant 99999 : i32
        %min3A_1050 = vector.broadcast %min3A_1049 : i32 to vector<16xi32>
        %min3A_1051 = arith.minsi %max3A_1048, %min3A_1050 : vector<16xi32>
        %swap3A_1052 = arith.constant 0 : i32
        %swap3A_1053 = arith.index_cast %swap3A_1052 : i32 to index
        %swap3A_1054 = arith.constant 112 : index
        %swap3A_1055 = tpu.vector_load %arg7[%swap3A_1053, %swap3A_1054] {strides = array<i32>} : memref<1x128xi32, #tpu.memory_space<vmem>>, vector<1x16xi32>,
        %swap3A_1056 = vector.shape_cast %swap3A_1055 : vector<1x16xi32> to vector<16xi32>
        %swap3A_1057 = vector.shape_cast %min3A_1051 : vector<16xi32> to vector<1x16xi32>
        tpu.vector_store %arg7[%swap3A_1053, %swap3A_1054], %swap3A_1057 {strides = array<i32>} : memref<1x128xi32, #tpu.memory_space<vmem>>, vector<1x16xi32>,
        %add3A_1058 = arith.constant 1 : i32
        %add3A_1059 = arith.addi %add3A_738, %add3A_1058 : i32
        %dma_start3A_1060 = arith.constant 0 : i32
        %dma_start3A_1061 = arith.constant 0 : i32
        %dma_start3A_1062 = tpu.memref_slice %arg7[%dma_start3A_1060, %dma_start3A_1061] : memref<1x128xi32, #tpu.memory_space<vmem>> -> memref<1x128xi32, #tpu.memory_space<vmem>>
        %dma_start3A_1063 = tpu.memref_squeeze %dma_start3A_1062 : memref<1x128xi32, #tpu.memory_space<vmem>> -> memref<128xi32, #tpu.memory_space<vmem>>
        %dma_start3A_1064 = arith.constant 0 : i32
        %dma_start3A_1065 = arith.constant 0 : i32
        %dma_start3A_1066 = tpu.memref_slice %arg3[%add3A_1059, %dma_start3A_1064, %dma_start3A_1065] : memref<26x100000x64xf32, #tpu.memory_space<hbm>> -> memref<1x100000x64xf32, #tpu.memory_space<hbm>>
        %dma_start3A_1067 = tpu.memref_squeeze %dma_start3A_1066 : memref<1x100000x64xf32, #tpu.memory_space<hbm>> -> memref<100000x64xf32, #tpu.memory_space<hbm>>
        %dma_start3A_1068 = arith.constant 0 : i32
        %dma_start3A_1069 = arith.constant 0 : i32
        %dma_start3A_1070 = tpu.memref_slice %dma_start3A_1067[%dma_start3A_1068, %dma_start3A_1069] : memref<100000x64xf32, #tpu.memory_space<hbm>> -> memref<100000x64xf32, #tpu.memory_space<hbm>>
        tpu.enqueue_indirect_dma source(%dma_start3A_1070 : memref<100000x64xf32, #tpu.memory_space<hbm>>) target(%arg9 : memref<128x64xf32, #tpu.memory_space<vmem>>) offsets(%dma_start3A_1063 : memref<128xi32, #tpu.memory_space<vmem>>) semaphore(%arg12 : memref<!tpu.dma_semaphore, #tpu.memory_space<semaphore_mem>>)
        %dma_wait3A_1071 = arith.constant 0 : i32
        %dma_wait3A_1072 = arith.constant 0 : i32
        %dma_wait3A_1073 = arith.constant 0 : i32
        %dma_wait3A_1074 = tpu.memref_slice %arg6[%dma_wait3A_1072, %dma_wait3A_1073] : memref<1x128xi32, #tpu.memory_space<vmem>> -> memref<1x128xi32, #tpu.memory_space<vmem>>
        %dma_wait3A_1075 = tpu.memref_squeeze %dma_wait3A_1074 : memref<1x128xi32, #tpu.memory_space<vmem>> -> memref<128xi32, #tpu.memory_space<vmem>>
        %dma_wait3A_1076 = arith.constant 0 : i32
        %dma_wait3A_1077 = arith.constant 0 : i32
        %dma_wait3A_1078 = tpu.memref_slice %arg3[%dma_wait3A_1071, %dma_wait3A_1076, %dma_wait3A_1077] : memref<26x100000x64xf32, #tpu.memory_space<hbm>> -> memref<1x100000x64xf32, #tpu.memory_space<hbm>>
        %dma_wait3A_1079 = tpu.memref_squeeze %dma_wait3A_1078 : memref<1x100000x64xf32, #tpu.memory_space<hbm>> -> memref<100000x64xf32, #tpu.memory_space<hbm>>
        %dma_wait3A_1080 = arith.constant 0 : i32
        %dma_wait3A_1081 = arith.constant 0 : i32
        %dma_wait3A_1082 = tpu.memref_slice %dma_wait3A_1079[%dma_wait3A_1080, %dma_wait3A_1081] : memref<100000x64xf32, #tpu.memory_space<hbm>> -> memref<100000x64xf32, #tpu.memory_space<hbm>>
        tpu.wait_indirect_dma semaphore(%arg11 : memref<!tpu.dma_semaphore, #tpu.memory_space<semaphore_mem>>) src(%dma_wait3A_1082 : memref<100000x64xf32, #tpu.memory_space<hbm>>) dst(%arg8 : memref<128x64xf32, #tpu.memory_space<vmem>>)
        %scan3A_1083 = arith.constant 0 : i32
        %scan3A_1084 = arith.constant 0 : i32
        %scan3A_1085 = arith.constant 128 : i32
        %scan3A_1086 = arith.addi %scan3A_1084, %scan3A_1085 : i32
        %scan3A_1087 = arith.constant 2 : i32
        scf.for %scan3A_1089 = %scan3A_1084 to %scan3A_1086 step %scan3A_1087  : i32 {
          %get3A_1090 = arith.index_cast %scan3A_1089 : i32 to index
          %get3A_1091 = arith.constant 0 : index
          %get3A_1092 = tpu.vector_load %arg8[%get3A_1090, %get3A_1091] {strides = array<i32>} : memref<128x64xf32, #tpu.memory_space<vmem>>, vector<1x16xf32>,
          %get3A_1093 = vector.shape_cast %get3A_1092 : vector<1x16xf32> to vector<16xf32>
          %swap3A_1094 = arith.index_cast %scan3A_1089 : i32 to index
          %swap3A_1095 = arith.constant 0 : index
          %swap3A_1096 = tpu.vector_load %arg10[%swap3A_1094, %swap3A_1095] {strides = array<i32>} : memref<128x64xf32, #tpu.memory_space<vmem>>, vector<1x16xf32>,
          %swap3A_1097 = vector.shape_cast %swap3A_1096 : vector<1x16xf32> to vector<16xf32>
          %swap3A_1098 = vector.shape_cast %get3A_1093 : vector<16xf32> to vector<1x16xf32>
          tpu.vector_store %arg10[%swap3A_1094, %swap3A_1095], %swap3A_1098 {add = true, strides = array<i32>} : memref<128x64xf32, #tpu.memory_space<vmem>>, vector<1x16xf32>,
          %get3A_1099 = arith.index_cast %scan3A_1089 : i32 to index
          %get3A_1100 = arith.constant 16 : index
          %get3A_1101 = tpu.vector_load %arg8[%get3A_1099, %get3A_1100] {strides = array<i32>} : memref<128x64xf32, #tpu.memory_space<vmem>>, vector<1x16xf32>,
          %get3A_1102 = vector.shape_cast %get3A_1101 : vector<1x16xf32> to vector<16xf32>
          %swap3A_1103 = arith.index_cast %scan3A_1089 : i32 to index
          %swap3A_1104 = arith.constant 16 : index
          %swap3A_1105 = tpu.vector_load %arg10[%swap3A_1103, %swap3A_1104] {strides = array<i32>} : memref<128x64xf32, #tpu.memory_space<vmem>>, vector<1x16xf32>,
          %swap3A_1106 = vector.shape_cast %swap3A_1105 : vector<1x16xf32> to vector<16xf32>
          %swap3A_1107 = vector.shape_cast %get3A_1102 : vector<16xf32> to vector<1x16xf32>
          tpu.vector_store %arg10[%swap3A_1103, %swap3A_1104], %swap3A_1107 {add = true, strides = array<i32>} : memref<128x64xf32, #tpu.memory_space<vmem>>, vector<1x16xf32>,
          %get3A_1108 = arith.index_cast %scan3A_1089 : i32 to index
          %get3A_1109 = arith.constant 32 : index
          %get3A_1110 = tpu.vector_load %arg8[%get3A_1108, %get3A_1109] {strides = array<i32>} : memref<128x64xf32, #tpu.memory_space<vmem>>, vector<1x16xf32>,
          %get3A_1111 = vector.shape_cast %get3A_1110 : vector<1x16xf32> to vector<16xf32>
          %swap3A_1112 = arith.index_cast %scan3A_1089 : i32 to index
          %swap3A_1113 = arith.constant 32 : index
          %swap3A_1114 = tpu.vector_load %arg10[%swap3A_1112, %swap3A_1113] {strides = array<i32>} : memref<128x64xf32, #tpu.memory_space<vmem>>, vector<1x16xf32>,
          %swap3A_1115 = vector.shape_cast %swap3A_1114 : vector<1x16xf32> to vector<16xf32>
          %swap3A_1116 = vector.shape_cast %get3A_1111 : vector<16xf32> to vector<1x16xf32>
          tpu.vector_store %arg10[%swap3A_1112, %swap3A_1113], %swap3A_1116 {add = true, strides = array<i32>} : memref<128x64xf32, #tpu.memory_space<vmem>>, vector<1x16xf32>,
          %get3A_1117 = arith.index_cast %scan3A_1089 : i32 to index
          %get3A_1118 = arith.constant 48 : index
          %get3A_1119 = tpu.vector_load %arg8[%get3A_1117, %get3A_1118] {strides = array<i32>} : memref<128x64xf32, #tpu.memory_space<vmem>>, vector<1x16xf32>,
          %get3A_1120 = vector.shape_cast %get3A_1119 : vector<1x16xf32> to vector<16xf32>
          %swap3A_1121 = arith.index_cast %scan3A_1089 : i32 to index
          %swap3A_1122 = arith.constant 48 : index
          %swap3A_1123 = tpu.vector_load %arg10[%swap3A_1121, %swap3A_1122] {strides = array<i32>} : memref<128x64xf32, #tpu.memory_space<vmem>>, vector<1x16xf32>,
          %swap3A_1124 = vector.shape_cast %swap3A_1123 : vector<1x16xf32> to vector<16xf32>
          %swap3A_1125 = vector.shape_cast %get3A_1120 : vector<16xf32> to vector<1x16xf32>
          tpu.vector_store %arg10[%swap3A_1121, %swap3A_1122], %swap3A_1125 {add = true, strides = array<i32>} : memref<128x64xf32, #tpu.memory_space<vmem>>, vector<1x16xf32>,
          %scan3A_1126 = arith.constant 1 : i32
          %scan3A_1127 = arith.addi %scan3A_1089, %scan3A_1126 : i32
          %get3A_1128 = arith.index_cast %scan3A_1127 : i32 to index
          %get3A_1129 = arith.constant 0 : index
          %get3A_1130 = tpu.vector_load %arg8[%get3A_1128, %get3A_1129] {strides = array<i32>} : memref<128x64xf32, #tpu.memory_space<vmem>>, vector<1x16xf32>,
          %get3A_1131 = vector.shape_cast %get3A_1130 : vector<1x16xf32> to vector<16xf32>
          %swap3A_1132 = arith.index_cast %scan3A_1127 : i32 to index
          %swap3A_1133 = arith.constant 0 : index
          %swap3A_1134 = tpu.vector_load %arg10[%swap3A_1132, %swap3A_1133] {strides = array<i32>} : memref<128x64xf32, #tpu.memory_space<vmem>>, vector<1x16xf32>,
          %swap3A_1135 = vector.shape_cast %swap3A_1134 : vector<1x16xf32> to vector<16xf32>
          %swap3A_1136 = vector.shape_cast %get3A_1131 : vector<16xf32> to vector<1x16xf32>
          tpu.vector_store %arg10[%swap3A_1132, %swap3A_1133], %swap3A_1136 {add = true, strides = array<i32>} : memref<128x64xf32, #tpu.memory_space<vmem>>, vector<1x16xf32>,
          %get3A_1137 = arith.index_cast %scan3A_1127 : i32 to index
          %get3A_1138 = arith.constant 16 : index
          %get3A_1139 = tpu.vector_load %arg8[%get3A_1137, %get3A_1138] {strides = array<i32>} : memref<128x64xf32, #tpu.memory_space<vmem>>, vector<1x16xf32>,
          %get3A_1140 = vector.shape_cast %get3A_1139 : vector<1x16xf32> to vector<16xf32>
          %swap3A_1141 = arith.index_cast %scan3A_1127 : i32 to index
          %swap3A_1142 = arith.constant 16 : index
          %swap3A_1143 = tpu.vector_load %arg10[%swap3A_1141, %swap3A_1142] {strides = array<i32>} : memref<128x64xf32, #tpu.memory_space<vmem>>, vector<1x16xf32>,
          %swap3A_1144 = vector.shape_cast %swap3A_1143 : vector<1x16xf32> to vector<16xf32>
          %swap3A_1145 = vector.shape_cast %get3A_1140 : vector<16xf32> to vector<1x16xf32>
          tpu.vector_store %arg10[%swap3A_1141, %swap3A_1142], %swap3A_1145 {add = true, strides = array<i32>} : memref<128x64xf32, #tpu.memory_space<vmem>>, vector<1x16xf32>,
          %get3A_1146 = arith.index_cast %scan3A_1127 : i32 to index
          %get3A_1147 = arith.constant 32 : index
          %get3A_1148 = tpu.vector_load %arg8[%get3A_1146, %get3A_1147] {strides = array<i32>} : memref<128x64xf32, #tpu.memory_space<vmem>>, vector<1x16xf32>,
          %get3A_1149 = vector.shape_cast %get3A_1148 : vector<1x16xf32> to vector<16xf32>
          %swap3A_1150 = arith.index_cast %scan3A_1127 : i32 to index
          %swap3A_1151 = arith.constant 32 : index
          %swap3A_1152 = tpu.vector_load %arg10[%swap3A_1150, %swap3A_1151] {strides = array<i32>} : memref<128x64xf32, #tpu.memory_space<vmem>>, vector<1x16xf32>,
          %swap3A_1153 = vector.shape_cast %swap3A_1152 : vector<1x16xf32> to vector<16xf32>
          %swap3A_1154 = vector.shape_cast %get3A_1149 : vector<16xf32> to vector<1x16xf32>
          tpu.vector_store %arg10[%swap3A_1150, %swap3A_1151], %swap3A_1154 {add = true, strides = array<i32>} : memref<128x64xf32, #tpu.memory_space<vmem>>, vector<1x16xf32>,
          %get3A_1155 = arith.index_cast %scan3A_1127 : i32 to index
          %get3A_1156 = arith.constant 48 : index
          %get3A_1157 = tpu.vector_load %arg8[%get3A_1155, %get3A_1156] {strides = array<i32>} : memref<128x64xf32, #tpu.memory_space<vmem>>, vector<1x16xf32>,
          %get3A_1158 = vector.shape_cast %get3A_1157 : vector<1x16xf32> to vector<16xf32>
          %swap3A_1159 = arith.index_cast %scan3A_1127 : i32 to index
          %swap3A_1160 = arith.constant 48 : index
          %swap3A_1161 = tpu.vector_load %arg10[%swap3A_1159, %swap3A_1160] {strides = array<i32>} : memref<128x64xf32, #tpu.memory_space<vmem>>, vector<1x16xf32>,
          %swap3A_1162 = vector.shape_cast %swap3A_1161 : vector<1x16xf32> to vector<16xf32>
          %swap3A_1163 = vector.shape_cast %get3A_1158 : vector<16xf32> to vector<1x16xf32>
          tpu.vector_store %arg10[%swap3A_1159, %swap3A_1160], %swap3A_1163 {add = true, strides = array<i32>} : memref<128x64xf32, #tpu.memory_space<vmem>>, vector<1x16xf32>,
        }
        %scan3A_1088 = arith.constant 128 : i32
      }
      %scan3A_532 = arith.constant 11 : i32
      %add3A_533 = arith.constant 0 : i32
      %add3A_534 = arith.addi %mul3A_10, %add3A_533 : i32
      %get3A_535 = arith.constant 25 : i32
      %get3A_536 = arith.index_cast %get3A_535 : i32 to index
      %get3A_537 = arith.index_cast %add3A_534 : i32 to index
      %get3A_538 = tpu.vector_load %arg5[%get3A_536, %get3A_537] {strides = array<i32>} : memref<26x512xi32, #tpu.memory_space<vmem>>, vector<1x16xi32>,
      %get3A_539 = vector.shape_cast %get3A_538 : vector<1x16xi32> to vector<16xi32>
      %max3A_540 = arith.constant 0 : i32
      %max3A_541 = vector.broadcast %max3A_540 : i32 to vector<16xi32>
      %max3A_542 = arith.maxsi %get3A_539, %max3A_541 : vector<16xi32>
      %min3A_543 = arith.constant 99999 : i32
      %min3A_544 = vector.broadcast %min3A_543 : i32 to vector<16xi32>
      %min3A_545 = arith.minsi %max3A_542, %min3A_544 : vector<16xi32>
      %swap3A_546 = arith.constant 0 : i32
      %swap3A_547 = arith.index_cast %swap3A_546 : i32 to index
      %swap3A_548 = arith.constant 0 : index
      %swap3A_549 = tpu.vector_load %arg6[%swap3A_547, %swap3A_548] {strides = array<i32>} : memref<1x128xi32, #tpu.memory_space<vmem>>, vector<1x16xi32>,
      %swap3A_550 = vector.shape_cast %swap3A_549 : vector<1x16xi32> to vector<16xi32>
      %swap3A_551 = vector.shape_cast %min3A_545 : vector<16xi32> to vector<1x16xi32>
      tpu.vector_store %arg6[%swap3A_547, %swap3A_548], %swap3A_551 {strides = array<i32>} : memref<1x128xi32, #tpu.memory_space<vmem>>, vector<1x16xi32>,
      %add3A_552 = arith.constant 16 : i32
      %add3A_553 = arith.addi %mul3A_10, %add3A_552 : i32
      %get3A_554 = arith.constant 25 : i32
      %get3A_555 = arith.index_cast %get3A_554 : i32 to index
      %get3A_556 = arith.index_cast %add3A_553 : i32 to index
      %get3A_557 = tpu.vector_load %arg5[%get3A_555, %get3A_556] {strides = array<i32>} : memref<26x512xi32, #tpu.memory_space<vmem>>, vector<1x16xi32>,
      %get3A_558 = vector.shape_cast %get3A_557 : vector<1x16xi32> to vector<16xi32>
      %max3A_559 = arith.constant 0 : i32
      %max3A_560 = vector.broadcast %max3A_559 : i32 to vector<16xi32>
      %max3A_561 = arith.maxsi %get3A_558, %max3A_560 : vector<16xi32>
      %min3A_562 = arith.constant 99999 : i32
      %min3A_563 = vector.broadcast %min3A_562 : i32 to vector<16xi32>
      %min3A_564 = arith.minsi %max3A_561, %min3A_563 : vector<16xi32>
      %swap3A_565 = arith.constant 0 : i32
      %swap3A_566 = arith.index_cast %swap3A_565 : i32 to index
      %swap3A_567 = arith.constant 16 : index
      %swap3A_568 = tpu.vector_load %arg6[%swap3A_566, %swap3A_567] {strides = array<i32>} : memref<1x128xi32, #tpu.memory_space<vmem>>, vector<1x16xi32>,
      %swap3A_569 = vector.shape_cast %swap3A_568 : vector<1x16xi32> to vector<16xi32>
      %swap3A_570 = vector.shape_cast %min3A_564 : vector<16xi32> to vector<1x16xi32>
      tpu.vector_store %arg6[%swap3A_566, %swap3A_567], %swap3A_570 {strides = array<i32>} : memref<1x128xi32, #tpu.memory_space<vmem>>, vector<1x16xi32>,
      %add3A_571 = arith.constant 32 : i32
      %add3A_572 = arith.addi %mul3A_10, %add3A_571 : i32
      %get3A_573 = arith.constant 25 : i32
      %get3A_574 = arith.index_cast %get3A_573 : i32 to index
      %get3A_575 = arith.index_cast %add3A_572 : i32 to index
      %get3A_576 = tpu.vector_load %arg5[%get3A_574, %get3A_575] {strides = array<i32>} : memref<26x512xi32, #tpu.memory_space<vmem>>, vector<1x16xi32>,
      %get3A_577 = vector.shape_cast %get3A_576 : vector<1x16xi32> to vector<16xi32>
      %max3A_578 = arith.constant 0 : i32
      %max3A_579 = vector.broadcast %max3A_578 : i32 to vector<16xi32>
      %max3A_580 = arith.maxsi %get3A_577, %max3A_579 : vector<16xi32>
      %min3A_581 = arith.constant 99999 : i32
      %min3A_582 = vector.broadcast %min3A_581 : i32 to vector<16xi32>
      %min3A_583 = arith.minsi %max3A_580, %min3A_582 : vector<16xi32>
      %swap3A_584 = arith.constant 0 : i32
      %swap3A_585 = arith.index_cast %swap3A_584 : i32 to index
      %swap3A_586 = arith.constant 32 : index
      %swap3A_587 = tpu.vector_load %arg6[%swap3A_585, %swap3A_586] {strides = array<i32>} : memref<1x128xi32, #tpu.memory_space<vmem>>, vector<1x16xi32>,
      %swap3A_588 = vector.shape_cast %swap3A_587 : vector<1x16xi32> to vector<16xi32>
      %swap3A_589 = vector.shape_cast %min3A_583 : vector<16xi32> to vector<1x16xi32>
      tpu.vector_store %arg6[%swap3A_585, %swap3A_586], %swap3A_589 {strides = array<i32>} : memref<1x128xi32, #tpu.memory_space<vmem>>, vector<1x16xi32>,
      %add3A_590 = arith.constant 48 : i32
      %add3A_591 = arith.addi %mul3A_10, %add3A_590 : i32
      %get3A_592 = arith.constant 25 : i32
      %get3A_593 = arith.index_cast %get3A_592 : i32 to index
      %get3A_594 = arith.index_cast %add3A_591 : i32 to index
      %get3A_595 = tpu.vector_load %arg5[%get3A_593, %get3A_594] {strides = array<i32>} : memref<26x512xi32, #tpu.memory_space<vmem>>, vector<1x16xi32>,
      %get3A_596 = vector.shape_cast %get3A_595 : vector<1x16xi32> to vector<16xi32>
      %max3A_597 = arith.constant 0 : i32
      %max3A_598 = vector.broadcast %max3A_597 : i32 to vector<16xi32>
      %max3A_599 = arith.maxsi %get3A_596, %max3A_598 : vector<16xi32>
      %min3A_600 = arith.constant 99999 : i32
      %min3A_601 = vector.broadcast %min3A_600 : i32 to vector<16xi32>
      %min3A_602 = arith.minsi %max3A_599, %min3A_601 : vector<16xi32>
      %swap3A_603 = arith.constant 0 : i32
      %swap3A_604 = arith.index_cast %swap3A_603 : i32 to index
      %swap3A_605 = arith.constant 48 : index
      %swap3A_606 = tpu.vector_load %arg6[%swap3A_604, %swap3A_605] {strides = array<i32>} : memref<1x128xi32, #tpu.memory_space<vmem>>, vector<1x16xi32>,
      %swap3A_607 = vector.shape_cast %swap3A_606 : vector<1x16xi32> to vector<16xi32>
      %swap3A_608 = vector.shape_cast %min3A_602 : vector<16xi32> to vector<1x16xi32>
      tpu.vector_store %arg6[%swap3A_604, %swap3A_605], %swap3A_608 {strides = array<i32>} : memref<1x128xi32, #tpu.memory_space<vmem>>, vector<1x16xi32>,
      %add3A_609 = arith.constant 64 : i32
      %add3A_610 = arith.addi %mul3A_10, %add3A_609 : i32
      %get3A_611 = arith.constant 25 : i32
      %get3A_612 = arith.index_cast %get3A_611 : i32 to index
      %get3A_613 = arith.index_cast %add3A_610 : i32 to index
      %get3A_614 = tpu.vector_load %arg5[%get3A_612, %get3A_613] {strides = array<i32>} : memref<26x512xi32, #tpu.memory_space<vmem>>, vector<1x16xi32>,
      %get3A_615 = vector.shape_cast %get3A_614 : vector<1x16xi32> to vector<16xi32>
      %max3A_616 = arith.constant 0 : i32
      %max3A_617 = vector.broadcast %max3A_616 : i32 to vector<16xi32>
      %max3A_618 = arith.maxsi %get3A_615, %max3A_617 : vector<16xi32>
      %min3A_619 = arith.constant 99999 : i32
      %min3A_620 = vector.broadcast %min3A_619 : i32 to vector<16xi32>
      %min3A_621 = arith.minsi %max3A_618, %min3A_620 : vector<16xi32>
      %swap3A_622 = arith.constant 0 : i32
      %swap3A_623 = arith.index_cast %swap3A_622 : i32 to index
      %swap3A_624 = arith.constant 64 : index
      %swap3A_625 = tpu.vector_load %arg6[%swap3A_623, %swap3A_624] {strides = array<i32>} : memref<1x128xi32, #tpu.memory_space<vmem>>, vector<1x16xi32>,
      %swap3A_626 = vector.shape_cast %swap3A_625 : vector<1x16xi32> to vector<16xi32>
      %swap3A_627 = vector.shape_cast %min3A_621 : vector<16xi32> to vector<1x16xi32>
      tpu.vector_store %arg6[%swap3A_623, %swap3A_624], %swap3A_627 {strides = array<i32>} : memref<1x128xi32, #tpu.memory_space<vmem>>, vector<1x16xi32>,
      %add3A_628 = arith.constant 80 : i32
      %add3A_629 = arith.addi %mul3A_10, %add3A_628 : i32
      %get3A_630 = arith.constant 25 : i32
      %get3A_631 = arith.index_cast %get3A_630 : i32 to index
      %get3A_632 = arith.index_cast %add3A_629 : i32 to index
      %get3A_633 = tpu.vector_load %arg5[%get3A_631, %get3A_632] {strides = array<i32>} : memref<26x512xi32, #tpu.memory_space<vmem>>, vector<1x16xi32>,
      %get3A_634 = vector.shape_cast %get3A_633 : vector<1x16xi32> to vector<16xi32>
      %max3A_635 = arith.constant 0 : i32
      %max3A_636 = vector.broadcast %max3A_635 : i32 to vector<16xi32>
      %max3A_637 = arith.maxsi %get3A_634, %max3A_636 : vector<16xi32>
      %min3A_638 = arith.constant 99999 : i32
      %min3A_639 = vector.broadcast %min3A_638 : i32 to vector<16xi32>
      %min3A_640 = arith.minsi %max3A_637, %min3A_639 : vector<16xi32>
      %swap3A_641 = arith.constant 0 : i32
      %swap3A_642 = arith.index_cast %swap3A_641 : i32 to index
      %swap3A_643 = arith.constant 80 : index
      %swap3A_644 = tpu.vector_load %arg6[%swap3A_642, %swap3A_643] {strides = array<i32>} : memref<1x128xi32, #tpu.memory_space<vmem>>, vector<1x16xi32>,
      %swap3A_645 = vector.shape_cast %swap3A_644 : vector<1x16xi32> to vector<16xi32>
      %swap3A_646 = vector.shape_cast %min3A_640 : vector<16xi32> to vector<1x16xi32>
      tpu.vector_store %arg6[%swap3A_642, %swap3A_643], %swap3A_646 {strides = array<i32>} : memref<1x128xi32, #tpu.memory_space<vmem>>, vector<1x16xi32>,
      %add3A_647 = arith.constant 96 : i32
      %add3A_648 = arith.addi %mul3A_10, %add3A_647 : i32
      %get3A_649 = arith.constant 25 : i32
      %get3A_650 = arith.index_cast %get3A_649 : i32 to index
      %get3A_651 = arith.index_cast %add3A_648 : i32 to index
      %get3A_652 = tpu.vector_load %arg5[%get3A_650, %get3A_651] {strides = array<i32>} : memref<26x512xi32, #tpu.memory_space<vmem>>, vector<1x16xi32>,
      %get3A_653 = vector.shape_cast %get3A_652 : vector<1x16xi32> to vector<16xi32>
      %max3A_654 = arith.constant 0 : i32
      %max3A_655 = vector.broadcast %max3A_654 : i32 to vector<16xi32>
      %max3A_656 = arith.maxsi %get3A_653, %max3A_655 : vector<16xi32>
      %min3A_657 = arith.constant 99999 : i32
      %min3A_658 = vector.broadcast %min3A_657 : i32 to vector<16xi32>
      %min3A_659 = arith.minsi %max3A_656, %min3A_658 : vector<16xi32>
      %swap3A_660 = arith.constant 0 : i32
      %swap3A_661 = arith.index_cast %swap3A_660 : i32 to index
      %swap3A_662 = arith.constant 96 : index
      %swap3A_663 = tpu.vector_load %arg6[%swap3A_661, %swap3A_662] {strides = array<i32>} : memref<1x128xi32, #tpu.memory_space<vmem>>, vector<1x16xi32>,
      %swap3A_664 = vector.shape_cast %swap3A_663 : vector<1x16xi32> to vector<16xi32>
      %swap3A_665 = vector.shape_cast %min3A_659 : vector<16xi32> to vector<1x16xi32>
      tpu.vector_store %arg6[%swap3A_661, %swap3A_662], %swap3A_665 {strides = array<i32>} : memref<1x128xi32, #tpu.memory_space<vmem>>, vector<1x16xi32>,
      %add3A_666 = arith.constant 112 : i32
      %add3A_667 = arith.addi %mul3A_10, %add3A_666 : i32
      %get3A_668 = arith.constant 25 : i32
      %get3A_669 = arith.index_cast %get3A_668 : i32 to index
      %get3A_670 = arith.index_cast %add3A_667 : i32 to index
      %get3A_671 = tpu.vector_load %arg5[%get3A_669, %get3A_670] {strides = array<i32>} : memref<26x512xi32, #tpu.memory_space<vmem>>, vector<1x16xi32>,
      %get3A_672 = vector.shape_cast %get3A_671 : vector<1x16xi32> to vector<16xi32>
      %max3A_673 = arith.constant 0 : i32
      %max3A_674 = vector.broadcast %max3A_673 : i32 to vector<16xi32>
      %max3A_675 = arith.maxsi %get3A_672, %max3A_674 : vector<16xi32>
      %min3A_676 = arith.constant 99999 : i32
      %min3A_677 = vector.broadcast %min3A_676 : i32 to vector<16xi32>
      %min3A_678 = arith.minsi %max3A_675, %min3A_677 : vector<16xi32>
      %swap3A_679 = arith.constant 0 : i32
      %swap3A_680 = arith.index_cast %swap3A_679 : i32 to index
      %swap3A_681 = arith.constant 112 : index
      %swap3A_682 = tpu.vector_load %arg6[%swap3A_680, %swap3A_681] {strides = array<i32>} : memref<1x128xi32, #tpu.memory_space<vmem>>, vector<1x16xi32>,
      %swap3A_683 = vector.shape_cast %swap3A_682 : vector<1x16xi32> to vector<16xi32>
      %swap3A_684 = vector.shape_cast %min3A_678 : vector<16xi32> to vector<1x16xi32>
      tpu.vector_store %arg6[%swap3A_680, %swap3A_681], %swap3A_684 {strides = array<i32>} : memref<1x128xi32, #tpu.memory_space<vmem>>, vector<1x16xi32>,
      %dma_start3A_685 = arith.constant 25 : i32
      %dma_start3A_686 = arith.constant 0 : i32
      %dma_start3A_687 = arith.constant 0 : i32
      %dma_start3A_688 = tpu.memref_slice %arg6[%dma_start3A_686, %dma_start3A_687] : memref<1x128xi32, #tpu.memory_space<vmem>> -> memref<1x128xi32, #tpu.memory_space<vmem>>
      %dma_start3A_689 = tpu.memref_squeeze %dma_start3A_688 : memref<1x128xi32, #tpu.memory_space<vmem>> -> memref<128xi32, #tpu.memory_space<vmem>>
      %dma_start3A_690 = arith.constant 0 : i32
      %dma_start3A_691 = arith.constant 0 : i32
      %dma_start3A_692 = tpu.memref_slice %arg3[%dma_start3A_685, %dma_start3A_690, %dma_start3A_691] : memref<26x100000x64xf32, #tpu.memory_space<hbm>> -> memref<1x100000x64xf32, #tpu.memory_space<hbm>>
      %dma_start3A_693 = tpu.memref_squeeze %dma_start3A_692 : memref<1x100000x64xf32, #tpu.memory_space<hbm>> -> memref<100000x64xf32, #tpu.memory_space<hbm>>
      %dma_start3A_694 = arith.constant 0 : i32
      %dma_start3A_695 = arith.constant 0 : i32
      %dma_start3A_696 = tpu.memref_slice %dma_start3A_693[%dma_start3A_694, %dma_start3A_695] : memref<100000x64xf32, #tpu.memory_space<hbm>> -> memref<100000x64xf32, #tpu.memory_space<hbm>>
      tpu.enqueue_indirect_dma source(%dma_start3A_696 : memref<100000x64xf32, #tpu.memory_space<hbm>>) target(%arg8 : memref<128x64xf32, #tpu.memory_space<vmem>>) offsets(%dma_start3A_689 : memref<128xi32, #tpu.memory_space<vmem>>) semaphore(%arg11 : memref<!tpu.dma_semaphore, #tpu.memory_space<semaphore_mem>>)
      %dma_wait3A_697 = arith.constant 0 : i32
      %dma_wait3A_698 = arith.constant 0 : i32
      %dma_wait3A_699 = arith.constant 0 : i32
      %dma_wait3A_700 = tpu.memref_slice %arg7[%dma_wait3A_698, %dma_wait3A_699] : memref<1x128xi32, #tpu.memory_space<vmem>> -> memref<1x128xi32, #tpu.memory_space<vmem>>
      %dma_wait3A_701 = tpu.memref_squeeze %dma_wait3A_700 : memref<1x128xi32, #tpu.memory_space<vmem>> -> memref<128xi32, #tpu.memory_space<vmem>>
      %dma_wait3A_702 = arith.constant 0 : i32
      %dma_wait3A_703 = arith.constant 0 : i32
      %dma_wait3A_704 = tpu.memref_slice %arg3[%dma_wait3A_697, %dma_wait3A_702, %dma_wait3A_703] : memref<26x100000x64xf32, #tpu.memory_space<hbm>> -> memref<1x100000x64xf32, #tpu.memory_space<hbm>>
      %dma_wait3A_705 = tpu.memref_squeeze %dma_wait3A_704 : memref<1x100000x64xf32, #tpu.memory_space<hbm>> -> memref<100000x64xf32, #tpu.memory_space<hbm>>
      %dma_wait3A_706 = arith.constant 0 : i32
      %dma_wait3A_707 = arith.constant 0 : i32
      %dma_wait3A_708 = tpu.memref_slice %dma_wait3A_705[%dma_wait3A_706, %dma_wait3A_707] : memref<100000x64xf32, #tpu.memory_space<hbm>> -> memref<100000x64xf32, #tpu.memory_space<hbm>>
      tpu.wait_indirect_dma semaphore(%arg12 : memref<!tpu.dma_semaphore, #tpu.memory_space<semaphore_mem>>) src(%dma_wait3A_708 : memref<100000x64xf32, #tpu.memory_space<hbm>>) dst(%arg9 : memref<128x64xf32, #tpu.memory_space<vmem>>)
      %scan3A_709 = arith.constant 0 : i32
      %scan3A_710 = arith.constant 0 : i32
      %scan3A_711 = arith.constant 128 : i32
      %scan3A_712 = arith.addi %scan3A_710, %scan3A_711 : i32
      %scan3A_713 = arith.constant 2 : i32
      scf.for %scan3A_734 = %scan3A_710 to %scan3A_712 step %scan3A_713  : i32 {
        %get3A_735 = arith.index_cast %scan3A_734 : i32 to index
        %get3A_736 = arith.constant 0 : index
        %get3A_737 = tpu.vector_load %arg9[%get3A_735, %get3A_736] {strides = array<i32>} : memref<128x64xf32, #tpu.memory_space<vmem>>, vector<1x16xf32>,
        %get3A_738 = vector.shape_cast %get3A_737 : vector<1x16xf32> to vector<16xf32>
        %swap3A_739 = arith.index_cast %scan3A_734 : i32 to index
        %swap3A_740 = arith.constant 0 : index
        %swap3A_741 = tpu.vector_load %arg10[%swap3A_739, %swap3A_740] {strides = array<i32>} : memref<128x64xf32, #tpu.memory_space<vmem>>, vector<1x16xf32>,
        %swap3A_742 = vector.shape_cast %swap3A_741 : vector<1x16xf32> to vector<16xf32>
        %swap3A_743 = vector.shape_cast %get3A_738 : vector<16xf32> to vector<1x16xf32>
        tpu.vector_store %arg10[%swap3A_739, %swap3A_740], %swap3A_743 {add = true, strides = array<i32>} : memref<128x64xf32, #tpu.memory_space<vmem>>, vector<1x16xf32>,
        %get3A_744 = arith.index_cast %scan3A_734 : i32 to index
        %get3A_745 = arith.constant 16 : index
        %get3A_746 = tpu.vector_load %arg9[%get3A_744, %get3A_745] {strides = array<i32>} : memref<128x64xf32, #tpu.memory_space<vmem>>, vector<1x16xf32>,
        %get3A_747 = vector.shape_cast %get3A_746 : vector<1x16xf32> to vector<16xf32>
        %swap3A_748 = arith.index_cast %scan3A_734 : i32 to index
        %swap3A_749 = arith.constant 16 : index
        %swap3A_750 = tpu.vector_load %arg10[%swap3A_748, %swap3A_749] {strides = array<i32>} : memref<128x64xf32, #tpu.memory_space<vmem>>, vector<1x16xf32>,
        %swap3A_751 = vector.shape_cast %swap3A_750 : vector<1x16xf32> to vector<16xf32>
        %swap3A_752 = vector.shape_cast %get3A_747 : vector<16xf32> to vector<1x16xf32>
        tpu.vector_store %arg10[%swap3A_748, %swap3A_749], %swap3A_752 {add = true, strides = array<i32>} : memref<128x64xf32, #tpu.memory_space<vmem>>, vector<1x16xf32>,
        %get3A_753 = arith.index_cast %scan3A_734 : i32 to index
        %get3A_754 = arith.constant 32 : index
        %get3A_755 = tpu.vector_load %arg9[%get3A_753, %get3A_754] {strides = array<i32>} : memref<128x64xf32, #tpu.memory_space<vmem>>, vector<1x16xf32>,
        %get3A_756 = vector.shape_cast %get3A_755 : vector<1x16xf32> to vector<16xf32>
        %swap3A_757 = arith.index_cast %scan3A_734 : i32 to index
        %swap3A_758 = arith.constant 32 : index
        %swap3A_759 = tpu.vector_load %arg10[%swap3A_757, %swap3A_758] {strides = array<i32>} : memref<128x64xf32, #tpu.memory_space<vmem>>, vector<1x16xf32>,
        %swap3A_760 = vector.shape_cast %swap3A_759 : vector<1x16xf32> to vector<16xf32>
        %swap3A_761 = vector.shape_cast %get3A_756 : vector<16xf32> to vector<1x16xf32>
        tpu.vector_store %arg10[%swap3A_757, %swap3A_758], %swap3A_761 {add = true, strides = array<i32>} : memref<128x64xf32, #tpu.memory_space<vmem>>, vector<1x16xf32>,
        %get3A_762 = arith.index_cast %scan3A_734 : i32 to index
        %get3A_763 = arith.constant 48 : index
        %get3A_764 = tpu.vector_load %arg9[%get3A_762, %get3A_763] {strides = array<i32>} : memref<128x64xf32, #tpu.memory_space<vmem>>, vector<1x16xf32>,
        %get3A_765 = vector.shape_cast %get3A_764 : vector<1x16xf32> to vector<16xf32>
        %swap3A_766 = arith.index_cast %scan3A_734 : i32 to index
        %swap3A_767 = arith.constant 48 : index
        %swap3A_768 = tpu.vector_load %arg10[%swap3A_766, %swap3A_767] {strides = array<i32>} : memref<128x64xf32, #tpu.memory_space<vmem>>, vector<1x16xf32>,
        %swap3A_769 = vector.shape_cast %swap3A_768 : vector<1x16xf32> to vector<16xf32>
        %swap3A_770 = vector.shape_cast %get3A_765 : vector<16xf32> to vector<1x16xf32>
        tpu.vector_store %arg10[%swap3A_766, %swap3A_767], %swap3A_770 {add = true, strides = array<i32>} : memref<128x64xf32, #tpu.memory_space<vmem>>, vector<1x16xf32>,
        %scan3A_771 = arith.constant 1 : i32
        %scan3A_772 = arith.addi %scan3A_734, %scan3A_771 : i32
        %get3A_773 = arith.index_cast %scan3A_772 : i32 to index
        %get3A_774 = arith.constant 0 : index
        %get3A_775 = tpu.vector_load %arg9[%get3A_773, %get3A_774] {strides = array<i32>} : memref<128x64xf32, #tpu.memory_space<vmem>>, vector<1x16xf32>,
        %get3A_776 = vector.shape_cast %get3A_775 : vector<1x16xf32> to vector<16xf32>
        %swap3A_777 = arith.index_cast %scan3A_772 : i32 to index
        %swap3A_778 = arith.constant 0 : index
        %swap3A_779 = tpu.vector_load %arg10[%swap3A_777, %swap3A_778] {strides = array<i32>} : memref<128x64xf32, #tpu.memory_space<vmem>>, vector<1x16xf32>,
        %swap3A_780 = vector.shape_cast %swap3A_779 : vector<1x16xf32> to vector<16xf32>
        %swap3A_781 = vector.shape_cast %get3A_776 : vector<16xf32> to vector<1x16xf32>
        tpu.vector_store %arg10[%swap3A_777, %swap3A_778], %swap3A_781 {add = true, strides = array<i32>} : memref<128x64xf32, #tpu.memory_space<vmem>>, vector<1x16xf32>,
        %get3A_782 = arith.index_cast %scan3A_772 : i32 to index
        %get3A_783 = arith.constant 16 : index
        %get3A_784 = tpu.vector_load %arg9[%get3A_782, %get3A_783] {strides = array<i32>} : memref<128x64xf32, #tpu.memory_space<vmem>>, vector<1x16xf32>,
        %get3A_785 = vector.shape_cast %get3A_784 : vector<1x16xf32> to vector<16xf32>
        %swap3A_786 = arith.index_cast %scan3A_772 : i32 to index
        %swap3A_787 = arith.constant 16 : index
        %swap3A_788 = tpu.vector_load %arg10[%swap3A_786, %swap3A_787] {strides = array<i32>} : memref<128x64xf32, #tpu.memory_space<vmem>>, vector<1x16xf32>,
        %swap3A_789 = vector.shape_cast %swap3A_788 : vector<1x16xf32> to vector<16xf32>
        %swap3A_790 = vector.shape_cast %get3A_785 : vector<16xf32> to vector<1x16xf32>
        tpu.vector_store %arg10[%swap3A_786, %swap3A_787], %swap3A_790 {add = true, strides = array<i32>} : memref<128x64xf32, #tpu.memory_space<vmem>>, vector<1x16xf32>,
        %get3A_791 = arith.index_cast %scan3A_772 : i32 to index
        %get3A_792 = arith.constant 32 : index
        %get3A_793 = tpu.vector_load %arg9[%get3A_791, %get3A_792] {strides = array<i32>} : memref<128x64xf32, #tpu.memory_space<vmem>>, vector<1x16xf32>,
        %get3A_794 = vector.shape_cast %get3A_793 : vector<1x16xf32> to vector<16xf32>
        %swap3A_795 = arith.index_cast %scan3A_772 : i32 to index
        %swap3A_796 = arith.constant 32 : index
        %swap3A_797 = tpu.vector_load %arg10[%swap3A_795, %swap3A_796] {strides = array<i32>} : memref<128x64xf32, #tpu.memory_space<vmem>>, vector<1x16xf32>,
        %swap3A_798 = vector.shape_cast %swap3A_797 : vector<1x16xf32> to vector<16xf32>
        %swap3A_799 = vector.shape_cast %get3A_794 : vector<16xf32> to vector<1x16xf32>
        tpu.vector_store %arg10[%swap3A_795, %swap3A_796], %swap3A_799 {add = true, strides = array<i32>} : memref<128x64xf32, #tpu.memory_space<vmem>>, vector<1x16xf32>,
        %get3A_800 = arith.index_cast %scan3A_772 : i32 to index
        %get3A_801 = arith.constant 48 : index
        %get3A_802 = tpu.vector_load %arg9[%get3A_800, %get3A_801] {strides = array<i32>} : memref<128x64xf32, #tpu.memory_space<vmem>>, vector<1x16xf32>,
        %get3A_803 = vector.shape_cast %get3A_802 : vector<1x16xf32> to vector<16xf32>
        %swap3A_804 = arith.index_cast %scan3A_772 : i32 to index
        %swap3A_805 = arith.constant 48 : index
        %swap3A_806 = tpu.vector_load %arg10[%swap3A_804, %swap3A_805] {strides = array<i32>} : memref<128x64xf32, #tpu.memory_space<vmem>>, vector<1x16xf32>,
        %swap3A_807 = vector.shape_cast %swap3A_806 : vector<1x16xf32> to vector<16xf32>
        %swap3A_808 = vector.shape_cast %get3A_803 : vector<16xf32> to vector<1x16xf32>
        tpu.vector_store %arg10[%swap3A_804, %swap3A_805], %swap3A_808 {add = true, strides = array<i32>} : memref<128x64xf32, #tpu.memory_space<vmem>>, vector<1x16xf32>,
      }
      %scan3A_714 = arith.constant 128 : i32
      %dma_wait3A_715 = arith.constant 0 : i32
      %dma_wait3A_716 = arith.constant 0 : i32
      %dma_wait3A_717 = arith.constant 0 : i32
      %dma_wait3A_718 = tpu.memref_slice %arg6[%dma_wait3A_716, %dma_wait3A_717] : memref<1x128xi32, #tpu.memory_space<vmem>> -> memref<1x128xi32, #tpu.memory_space<vmem>>
      %dma_wait3A_719 = tpu.memref_squeeze %dma_wait3A_718 : memref<1x128xi32, #tpu.memory_space<vmem>> -> memref<128xi32, #tpu.memory_space<vmem>>
      %dma_wait3A_720 = arith.constant 0 : i32
      %dma_wait3A_721 = arith.constant 0 : i32
      %dma_wait3A_722 = tpu.memref_slice %arg3[%dma_wait3A_715, %dma_wait3A_720, %dma_wait3A_721] : memref<26x100000x64xf32, #tpu.memory_space<hbm>> -> memref<1x100000x64xf32, #tpu.memory_space<hbm>>
      %dma_wait3A_723 = tpu.memref_squeeze %dma_wait3A_722 : memref<1x100000x64xf32, #tpu.memory_space<hbm>> -> memref<100000x64xf32, #tpu.memory_space<hbm>>
      %dma_wait3A_724 = arith.constant 0 : i32
      %dma_wait3A_725 = arith.constant 0 : i32
      %dma_wait3A_726 = tpu.memref_slice %dma_wait3A_723[%dma_wait3A_724, %dma_wait3A_725] : memref<100000x64xf32, #tpu.memory_space<hbm>> -> memref<100000x64xf32, #tpu.memory_space<hbm>>
      tpu.wait_indirect_dma semaphore(%arg11 : memref<!tpu.dma_semaphore, #tpu.memory_space<semaphore_mem>>) src(%dma_wait3A_726 : memref<100000x64xf32, #tpu.memory_space<hbm>>) dst(%arg8 : memref<128x64xf32, #tpu.memory_space<vmem>>)
      %scan3A_727 = arith.constant 0 : i32
      %scan3A_728 = arith.constant 0 : i32
      %scan3A_729 = arith.constant 128 : i32
      %scan3A_730 = arith.addi %scan3A_728, %scan3A_729 : i32
      %scan3A_731 = arith.constant 2 : i32
      scf.for %scan3A_734 = %scan3A_728 to %scan3A_730 step %scan3A_731  : i32 {
        %get3A_735 = arith.index_cast %scan3A_734 : i32 to index
        %get3A_736 = arith.constant 0 : index
        %get3A_737 = tpu.vector_load %arg8[%get3A_735, %get3A_736] {strides = array<i32>} : memref<128x64xf32, #tpu.memory_space<vmem>>, vector<1x16xf32>,
        %get3A_738 = vector.shape_cast %get3A_737 : vector<1x16xf32> to vector<16xf32>
        %swap3A_739 = arith.index_cast %scan3A_734 : i32 to index
        %swap3A_740 = arith.constant 0 : index
        %swap3A_741 = tpu.vector_load %arg10[%swap3A_739, %swap3A_740] {strides = array<i32>} : memref<128x64xf32, #tpu.memory_space<vmem>>, vector<1x16xf32>,
        %swap3A_742 = vector.shape_cast %swap3A_741 : vector<1x16xf32> to vector<16xf32>
        %swap3A_743 = vector.shape_cast %get3A_738 : vector<16xf32> to vector<1x16xf32>
        tpu.vector_store %arg10[%swap3A_739, %swap3A_740], %swap3A_743 {add = true, strides = array<i32>} : memref<128x64xf32, #tpu.memory_space<vmem>>, vector<1x16xf32>,
        %get3A_744 = arith.index_cast %scan3A_734 : i32 to index
        %get3A_745 = arith.constant 16 : index
        %get3A_746 = tpu.vector_load %arg8[%get3A_744, %get3A_745] {strides = array<i32>} : memref<128x64xf32, #tpu.memory_space<vmem>>, vector<1x16xf32>,
        %get3A_747 = vector.shape_cast %get3A_746 : vector<1x16xf32> to vector<16xf32>
        %swap3A_748 = arith.index_cast %scan3A_734 : i32 to index
        %swap3A_749 = arith.constant 16 : index
        %swap3A_750 = tpu.vector_load %arg10[%swap3A_748, %swap3A_749] {strides = array<i32>} : memref<128x64xf32, #tpu.memory_space<vmem>>, vector<1x16xf32>,
        %swap3A_751 = vector.shape_cast %swap3A_750 : vector<1x16xf32> to vector<16xf32>
        %swap3A_752 = vector.shape_cast %get3A_747 : vector<16xf32> to vector<1x16xf32>
        tpu.vector_store %arg10[%swap3A_748, %swap3A_749], %swap3A_752 {add = true, strides = array<i32>} : memref<128x64xf32, #tpu.memory_space<vmem>>, vector<1x16xf32>,
        %get3A_753 = arith.index_cast %scan3A_734 : i32 to index
        %get3A_754 = arith.constant 32 : index
        %get3A_755 = tpu.vector_load %arg8[%get3A_753, %get3A_754] {strides = array<i32>} : memref<128x64xf32, #tpu.memory_space<vmem>>, vector<1x16xf32>,
        %get3A_756 = vector.shape_cast %get3A_755 : vector<1x16xf32> to vector<16xf32>
        %swap3A_757 = arith.index_cast %scan3A_734 : i32 to index
        %swap3A_758 = arith.constant 32 : index
        %swap3A_759 = tpu.vector_load %arg10[%swap3A_757, %swap3A_758] {strides = array<i32>} : memref<128x64xf32, #tpu.memory_space<vmem>>, vector<1x16xf32>,
        %swap3A_760 = vector.shape_cast %swap3A_759 : vector<1x16xf32> to vector<16xf32>
        %swap3A_761 = vector.shape_cast %get3A_756 : vector<16xf32> to vector<1x16xf32>
        tpu.vector_store %arg10[%swap3A_757, %swap3A_758], %swap3A_761 {add = true, strides = array<i32>} : memref<128x64xf32, #tpu.memory_space<vmem>>, vector<1x16xf32>,
        %get3A_762 = arith.index_cast %scan3A_734 : i32 to index
        %get3A_763 = arith.constant 48 : index
        %get3A_764 = tpu.vector_load %arg8[%get3A_762, %get3A_763] {strides = array<i32>} : memref<128x64xf32, #tpu.memory_space<vmem>>, vector<1x16xf32>,
        %get3A_765 = vector.shape_cast %get3A_764 : vector<1x16xf32> to vector<16xf32>
        %swap3A_766 = arith.index_cast %scan3A_734 : i32 to index
        %swap3A_767 = arith.constant 48 : index
        %swap3A_768 = tpu.vector_load %arg10[%swap3A_766, %swap3A_767] {strides = array<i32>} : memref<128x64xf32, #tpu.memory_space<vmem>>, vector<1x16xf32>,
        %swap3A_769 = vector.shape_cast %swap3A_768 : vector<1x16xf32> to vector<16xf32>
        %swap3A_770 = vector.shape_cast %get3A_765 : vector<16xf32> to vector<1x16xf32>
        tpu.vector_store %arg10[%swap3A_766, %swap3A_767], %swap3A_770 {add = true, strides = array<i32>} : memref<128x64xf32, #tpu.memory_space<vmem>>, vector<1x16xf32>,
        %scan3A_771 = arith.constant 1 : i32
        %scan3A_772 = arith.addi %scan3A_734, %scan3A_771 : i32
        %get3A_773 = arith.index_cast %scan3A_772 : i32 to index
        %get3A_774 = arith.constant 0 : index
        %get3A_775 = tpu.vector_load %arg8[%get3A_773, %get3A_774] {strides = array<i32>} : memref<128x64xf32, #tpu.memory_space<vmem>>, vector<1x16xf32>,
        %get3A_776 = vector.shape_cast %get3A_775 : vector<1x16xf32> to vector<16xf32>
        %swap3A_777 = arith.index_cast %scan3A_772 : i32 to index
        %swap3A_778 = arith.constant 0 : index
        %swap3A_779 = tpu.vector_load %arg10[%swap3A_777, %swap3A_778] {strides = array<i32>} : memref<128x64xf32, #tpu.memory_space<vmem>>, vector<1x16xf32>,
        %swap3A_780 = vector.shape_cast %swap3A_779 : vector<1x16xf32> to vector<16xf32>
        %swap3A_781 = vector.shape_cast %get3A_776 : vector<16xf32> to vector<1x16xf32>
        tpu.vector_store %arg10[%swap3A_777, %swap3A_778], %swap3A_781 {add = true, strides = array<i32>} : memref<128x64xf32, #tpu.memory_space<vmem>>, vector<1x16xf32>,
        %get3A_782 = arith.index_cast %scan3A_772 : i32 to index
        %get3A_783 = arith.constant 16 : index
        %get3A_784 = tpu.vector_load %arg8[%get3A_782, %get3A_783] {strides = array<i32>} : memref<128x64xf32, #tpu.memory_space<vmem>>, vector<1x16xf32>,
        %get3A_785 = vector.shape_cast %get3A_784 : vector<1x16xf32> to vector<16xf32>
        %swap3A_786 = arith.index_cast %scan3A_772 : i32 to index
        %swap3A_787 = arith.constant 16 : index
        %swap3A_788 = tpu.vector_load %arg10[%swap3A_786, %swap3A_787] {strides = array<i32>} : memref<128x64xf32, #tpu.memory_space<vmem>>, vector<1x16xf32>,
        %swap3A_789 = vector.shape_cast %swap3A_788 : vector<1x16xf32> to vector<16xf32>
        %swap3A_790 = vector.shape_cast %get3A_785 : vector<16xf32> to vector<1x16xf32>
        tpu.vector_store %arg10[%swap3A_786, %swap3A_787], %swap3A_790 {add = true, strides = array<i32>} : memref<128x64xf32, #tpu.memory_space<vmem>>, vector<1x16xf32>,
        %get3A_791 = arith.index_cast %scan3A_772 : i32 to index
        %get3A_792 = arith.constant 32 : index
        %get3A_793 = tpu.vector_load %arg8[%get3A_791, %get3A_792] {strides = array<i32>} : memref<128x64xf32, #tpu.memory_space<vmem>>, vector<1x16xf32>,
        %get3A_794 = vector.shape_cast %get3A_793 : vector<1x16xf32> to vector<16xf32>
        %swap3A_795 = arith.index_cast %scan3A_772 : i32 to index
        %swap3A_796 = arith.constant 32 : index
        %swap3A_797 = tpu.vector_load %arg10[%swap3A_795, %swap3A_796] {strides = array<i32>} : memref<128x64xf32, #tpu.memory_space<vmem>>, vector<1x16xf32>,
        %swap3A_798 = vector.shape_cast %swap3A_797 : vector<1x16xf32> to vector<16xf32>
        %swap3A_799 = vector.shape_cast %get3A_794 : vector<16xf32> to vector<1x16xf32>
        tpu.vector_store %arg10[%swap3A_795, %swap3A_796], %swap3A_799 {add = true, strides = array<i32>} : memref<128x64xf32, #tpu.memory_space<vmem>>, vector<1x16xf32>,
        %get3A_800 = arith.index_cast %scan3A_772 : i32 to index
        %get3A_801 = arith.constant 48 : index
        %get3A_802 = tpu.vector_load %arg8[%get3A_800, %get3A_801] {strides = array<i32>} : memref<128x64xf32, #tpu.memory_space<vmem>>, vector<1x16xf32>,
        %get3A_803 = vector.shape_cast %get3A_802 : vector<1x16xf32> to vector<16xf32>
        %swap3A_804 = arith.index_cast %scan3A_772 : i32 to index
        %swap3A_805 = arith.constant 48 : index
        %swap3A_806 = tpu.vector_load %arg10[%swap3A_804, %swap3A_805] {strides = array<i32>} : memref<128x64xf32, #tpu.memory_space<vmem>>, vector<1x16xf32>,
        %swap3A_807 = vector.shape_cast %swap3A_806 : vector<1x16xf32> to vector<16xf32>
        %swap3A_808 = vector.shape_cast %get3A_803 : vector<16xf32> to vector<1x16xf32>
        tpu.vector_store %arg10[%swap3A_804, %swap3A_805], %swap3A_808 {add = true, strides = array<i32>} : memref<128x64xf32, #tpu.memory_space<vmem>>, vector<1x16xf32>,
      }
      %scan3A_732 = arith.constant 128 : i32
      %add3A_733 = arith.addi %mul3A_2, %mul3A_10 : i32
      "tpu.region"() ({
        %run_scoped3A = tpu.sem_alloc : memref<!tpu.dma_semaphore, #tpu.memory_space<semaphore_mem>>
        %dma_start3A_734 = arith.constant 0 : i32
        %dma_start3A_735 = tpu.memref_slice %arg4[%add3A_733, %dma_start3A_734] : memref<16384x64xf32, #tpu.memory_space<hbm>> -> memref<128x64xf32, #tpu.memory_space<hbm>>
        %dma_start3A_736 = arith.constant 0 : i32
        %dma_start3A_737 = tpu.memref_slice %arg4[%add3A_733, %dma_start3A_736] : memref<16384x64xf32, #tpu.memory_space<hbm>> -> memref<128x64xf32, #tpu.memory_space<hbm>>
        tpu.enqueue_dma source(%arg10 : memref<128x64xf32, #tpu.memory_space<vmem>>) target(%dma_start3A_737 : memref<128x64xf32, #tpu.memory_space<hbm>>) target_semaphore(%run_scoped3A : memref<!tpu.dma_semaphore, #tpu.memory_space<semaphore_mem>>)
        %dma_wait3A_738 = arith.constant 0 : i32
        %dma_wait3A_739 = tpu.memref_slice %arg4[%add3A_733, %dma_wait3A_738] : memref<16384x64xf32, #tpu.memory_space<hbm>> -> memref<128x64xf32, #tpu.memory_space<hbm>>
        %dma_wait3A_740 = arith.constant 0 : i32
        %dma_wait3A_741 = tpu.memref_slice %arg4[%add3A_733, %dma_wait3A_740] : memref<16384x64xf32, #tpu.memory_space<hbm>> -> memref<128x64xf32, #tpu.memory_space<hbm>>
        tpu.wait_dma2 semaphore(%run_scoped3A : memref<!tpu.dma_semaphore, #tpu.memory_space<semaphore_mem>>) src(%arg10 : memref<128x64xf32, #tpu.memory_space<vmem>>) dst(%dma_wait3A_741 : memref<128x64xf32, #tpu.memory_space<hbm>>)
        tpu.yield
      }) : () -> ()
    }
    %scan3A_7 = arith.constant 4 : i32
    return
  }
}

</mosaic_0001>

<sc_bundles>
// kernel: kernel.3.cloned.1.call-start
scs
__scs_entry_jumppad:
0x0: {  	(pc) =	sbr.rel $0x88, $3  }
0x1: {  	(tag) =	ssettag $0x0;
	lr =	simm.s32 $0x1  }
0x2: {  	[smem:$0x3F9F] =	sst lr;
	_ =	strace $0xD0000000  }
0x3: {  	_ = 	snop  }
0x4: {  	_ = 	snop  }
0x5: {  	_ = 	snop  }
0x6: {  	_ = 	snop  }
0x7: {  	_ = 	snop  }
__scs_overlays_trampoline_lowered:
0x8: {  	[smem:$0x3FAE] =	sst s0  }
0x9: {  	[smem:$0x3FAF] =	sst s1  }
0xa: {  	[smem:$0x3FB0] =	sst s2  }
0xb: {  	[smem:$0x3FB1] =	sst s3  }
0xc: {  	[smem:$0x3FB2] =	sst s4  }
0xd: {  	[smem:$0x3FB3] =	sst s5  }
0xe: {  	[smem:$0x3FB4] =	sst s6  }
0xf: {  	[smem:$0x3FB5] =	sst s7  }
0x10: {  	[smem:$0x3FB6] =	sst s8  }
0x11: {  	[smem:$0x3FB7] =	sst s9;
	s0 =	simm.s32 @!p0 $0x0  }
0x12: {  	s1 =	sld [smem:$0x3F9D];
	s0 =	simm.s32 @p0 $0x1  }
0x13: {  	[smem:$0x3FB8] =	sst s0;
	s0 =	simm.s32 @!p1 $0x0  }
0x14: {  	s2 =	sld [smem:$0x3F9C];
	s0 =	simm.s32 @p1 $0x1  }
0x15: {  	[smem:$0x3FB9] =	sst s0;
	s0 =	simm.s32 @!p2 $0x0  }
0x16: {  	s3 =	sld [smem:$0x3FDB];
	s0 =	simm.s32 @p2 $0x1  }
0x17: {  	s4 =	simm.s32 $0x1BF5;
	[smem:$0x3FBB] =	sst s0  }
0x18: {  	s0 =	sld [smem:$0x3F9E];
	_ =	swait.ge [sflag:s4], $0x0  }
0x19: {  	s7 =	sld [smem:$0x3F9F]  }
0x1a: {  	s8 =	sadd.s32 $0xFFFFE003, lr  }
0x1b: {  	s9 =	sadd.s32 $0xFFFFFEF7, lr;
	s5 =	simm.s32 $0xFFFFFFFF;
	p2 =	slt.u32 s8, $0xFFFFF086  }
0x1c: {  	p1 =	slt.u32 s9, $0xF7A;
	s5 =	simm.s32 @!p2 $0x0  }
0x1d: {  	s5 =	simm.s32 @p1 $0x1;
	p0 =	seq.s32 s7, s2  }
0x1e: {  	s7 =	smul.u32 @!p0 $0xF7A, s2;
	p2 =	seq.s32 @!p0 s5, $0x0  }
0x1f: {  	s9 =	smul.u32 $0xF7A, s1;
	s8 =	simm.s32 @!p0 $0x1BF5;
	p2 =	por !p2, p0  }
0x20: {  	[sflag:s8] =	ssyncset.s32 @!p0 $0xFFFFF086;
	s6 =	sadd.s32 @!p0 s3, s7;
	s7 =	simm.s32 @!p0 $0x108  }
0x21: {  	s3 =	sadd.s32 s3, s9;
	s6 =	sadd.s32 @!p0 $0x88, s6;
	s7 =	simm.s32 @p2 $0x1082  }
0x22: {  	[simem:s7], [sflag:s8] =	dma.local @!p0 [hbm:s6], $0xF7A  }
0x23: {  	s9 =	sor.u32 $0xD0000000, s2;
	s6 =	simm.s32 $0x108;
	_ =	swait.ge @!p0 [sflag:s8], $0x0  }
0x24: {  	s3 =	sadd.s32 $0x88, s3;
	s6 =	simm.s32 @!p1 $0x1082;
	[sflag:s4] =	ssyncset.s32 $0xFFFFF086  }
0x25: {  	[simem:s6], [sflag:s4] =	dma.local [hbm:s3], $0xF7A  }
0x26: {  	[smem:$0x3F9F] =	sst s1;
	(tag) =	ssettag s2;
	_ =	strace s9  }
0x27: {  	s1 =	sld [smem:$0x3FAF]  }
0x28: {  	s2 =	sld [smem:$0x3FB0]  }
0x29: {  	s4 =	sld [smem:$0x3FB2]  }
0x2a: {  	p0 =	seq.s32 s5, $0x0;
	s5 =	sld [smem:$0x3FB3]  }
0x2b: {  	s6 =	sld [smem:$0x3FB4]  }
0x2c: {  	s7 =	sld [smem:$0x3FB5]  }
0x2d: {  	s3 =	simm.s32 $0x108;
	s8 =	sld [smem:$0x3FB6]  }
0x2e: {  	s3 =	simm.s32 @!p0 $0x1082;
	s9 =	sld [smem:$0x3FB7]  }
0x2f: {  	lr =	sadd.s32 s0, s3;
	s0 =	sld [smem:$0x3FAE]  }
0x30: {  	s3 =	sld [smem:$0x3FB1]  }
0x31: {  	[smem:$0x3FBA] =	sst s10  }
0x32: {  	s10 =	sld [smem:$0x3FB8];
	_ =	sdelay $0x3  }
0x33: {  	p0 =	seq.s32 s10, $0x1;
	s10 =	sld [smem:$0x3FBA];
	_ =	sdelay $0x3  }
0x34: {  	[smem:$0x3FBA] =	sst s10  }
0x35: {  	s10 =	sld [smem:$0x3FB9];
	_ =	sdelay $0x3  }
0x36: {  	p1 =	seq.s32 s10, $0x1;
	s10 =	sld [smem:$0x3FBA];
	_ =	sdelay $0x3  }
0x37: {  	[smem:$0x3FBA] =	sst s10  }
0x38: {  	s10 =	sld [smem:$0x3FBB]  }
0x39: {  	_ = 	snop;
	(pc) =	sbr.ind lr, $3  }
0x3a: {  	_ = 	snop  }
0x3b: {  	_ = 	snop  }
0x3c: {  	p2 =	seq.s32 s10, $0x1;
	s10 =	sld [smem:$0x3FBA]  }
0x3d: {  	_ =	shalt  }
0x3e: {  	_ =	shalt  }
0x3f: {  	_ =	shalt  }
0x40: {  	_ =	shalt  }
0x41: {  	_ =	shalt  }
0x42: {  	_ =	shalt  }
0x43: {  	_ =	shalt  }
0x44: {  	_ =	shalt  }
0x45: {  	_ =	shalt  }
0x46: {  	_ =	shalt  }
0x47: {  	_ =	shalt  }
0x48: {  	_ =	shalt  }
0x49: {  	_ =	shalt  }
0x4a: {  	_ =	shalt  }
0x4b: {  	_ =	shalt  }
0x4c: {  	_ =	shalt  }
0x4d: {  	_ =	shalt  }
0x4e: {  	_ =	shalt  }
0x4f: {  	_ =	shalt  }
0x50: {  	_ =	shalt  }
0x51: {  	_ =	shalt  }
0x52: {  	_ =	shalt  }
0x53: {  	_ =	shalt  }
0x54: {  	_ =	shalt  }
0x55: {  	_ =	shalt  }
0x56: {  	_ =	shalt  }
0x57: {  	_ =	shalt  }
0x58: {  	_ =	shalt  }
0x59: {  	_ =	shalt  }
0x5a: {  	_ =	shalt  }
0x5b: {  	_ =	shalt  }
0x5c: {  	_ =	shalt  }
0x5d: {  	_ =	shalt  }
0x5e: {  	_ =	shalt  }
0x5f: {  	_ =	shalt  }
0x60: {  	_ =	shalt  }
0x61: {  	_ =	shalt  }
0x62: {  	_ =	shalt  }
0x63: {  	_ =	shalt  }
0x64: {  	_ =	shalt  }
0x65: {  	_ =	shalt  }
0x66: {  	_ =	shalt  }
0x67: {  	_ =	shalt  }
0x68: {  	_ =	shalt  }
0x69: {  	_ =	shalt  }
0x6a: {  	_ =	shalt  }
0x6b: {  	_ =	shalt  }
0x6c: {  	_ =	shalt  }
0x6d: {  	_ =	shalt  }
0x6e: {  	_ =	shalt  }
0x6f: {  	_ =	shalt  }
0x70: {  	_ =	shalt  }
0x71: {  	_ =	shalt  }
0x72: {  	_ =	shalt  }
0x73: {  	_ =	shalt  }
0x74: {  	_ =	shalt  }
0x75: {  	_ =	shalt  }
0x76: {  	_ =	shalt  }
0x77: {  	_ =	shalt  }
0x78: {  	_ =	shalt  }
0x79: {  	_ =	shalt  }
0x7a: {  	_ =	shalt  }
0x7b: {  	_ =	shalt  }
0x7c: {  	_ =	shalt  }
0x7d: {  	_ =	shalt  }
0x7e: {  	_ =	shalt  }
0x7f: {  	_ =	shalt  }
0x80: {  	_ =	shalt  }
0x81: {  	_ =	shalt  }
0x82: {  	_ =	shalt  }
0x83: {  	_ =	shalt  }
0x84: {  	_ =	shalt  }
0x85: {  	_ =	shalt  }
0x86: {  	_ =	shalt  }
0x87: {  	_ =	shalt  }
.Lfunc_end0:
.L_simem_size_0:
called_computation_lowered:
.L_overlay_start_0:
0x88: {  	s2 =	sld [smem:$0x3FD9]  }
0x89: {  	s3 =	sld [smem:$0x3FFE];
	_ =	sdelay $0x1  }
0x8a: {  	s1 =	srdreg.scid  }
0x8b: {  	s0 =	sand.u32 $0x1, s1  }
0x8c: {  	s17 =	sshll.u32 s0, $0xA;
	s2 =	sadd.s32 s3, s2  }
0x8d: {  	s2 =	sadd.s32 s2, s17  }
0x8e: {  	[smem:$0x3FC6] =	sst s2  }
0x8f: {  	_ = 	snop  }
0x90: {  	s2 =	sld [smem:$0x3FD0];
	(tm) =	ssettm $0x1  }
0x91: {  	s18 =	sld [smem:$0x3FFB];
	_ =	sdelay $0x3  }
0x92: {  	_ =	strace s18  }
0x93: {  	s3 =	sld [smem:$0x3FFC];
	_ =	sdelay $0x3  }
0x94: {  	_ =	strace s3  }
0x95: {  	s3 =	sld [smem:$0x3FFD];
	_ =	sdelay $0x3  }
0x96: {  	_ =	strace s3  }
0x97: {  	_ =	strace $0x8FFFFFFF  }
0x98: {  	s19 =	sld [smem:$0x3FDB];
	_ =	sdelay $0x1  }
0x99: {  	s4 =	simm.s32 $_scs_section_size  }
0x9a: {  	s5 =	simm.s32 $_size__tile_overlayer_lowered;
	s6 =	simm.s32 $_tile_overlayer_lowered  }
0x9b: {  	s22 =	simm.s32 $0x1BFF;
	s21 =	sshll.u32 s6, $0x1;
	s3 =	sadd.s32 s4, s19  }
0x9c: {  	s7 =	simm.s32 $0x0;
	s20 =	sshll.u32 s5, $0x1;
	s5 =	sadd.s32 s21, s3  }
0x9d: {  	[timem:s7], [sflag:s22] =	dma.local [hbm:s5], s20  }
0x9e: {  	_ =	swait.ge [sflag:s22], s20  }
0x9f: {  	s4 =	ssub.s32 $0x0, s20;
	[sflag:s22] =	ssyncset.done $0x0  }
0xa0: {  	[sflag:s22] =	ssyncadd.s32 s4;
	_ =	sdelay $0x1  }
0xa1: {  	s23 =	simm.s32 $0x1B8B  }
0xa2: {  	_ =	swait.ge [sflag:s23], $0x1  }
0xa3: {  	[sflag:s23] =	ssyncset.done $0x0  }
0xa4: {  	s25 =	simm.s32 $0x1B8E;
	s24 =	sld [smem:$0x3FFE];
	[sflag:s23] =	ssyncadd.s32 $0xFFFFFFFF  }
0xa5: {  	s26 =	simm.s32 $execute0_lowered;
	[smem:$0x3FD2] =	sst s25  }
0xa6: {  	s5 =	sshll.u32 s26, $0x1;
	_ =	strace $0x80000046;
	[dreg:$0x1] =	wrdreg $0xFFFFFFFF  }
0xa7: {  	s28 =	simm.s32 $_size_execute0_lowered;
	s3 =	sadd.s32 s3, s5;
	[dreg:$0x0] =	wrdreg $0x0  }
0xa8: {  	s5 =	sshll.u32 s28, $0x1;
	[dreg:$0x2] =	wrdreg s3  }
0xa9: {  	[dreg:$0x3] =	wrdreg s5  }
0xaa: {  	[dreg:$0x4] =	wrdreg $0xC0  }
0xab: {  	_ =	task [dreg:s7], $0x5FFFF  }
0xac: {  	[dreg:$0x1] =	wrdreg $0xFFFFFFFF  }
0xad: {  	[dreg:$0x0] =	wrdreg $0x60  }
0xae: {  	[dreg:$0x2] =	wrdreg s24  }
0xaf: {  	[dreg:$0x3] =	wrdreg s2  }
0xb0: {  	[dreg:$0x4] =	wrdreg $0x9  }
0xb1: {  	_ =	task.clear_ibuf [dreg:s7], $0x5FFFF;
	_ =	strace $0x90000046  }
0xb2: {  	s29 =	simm.s32 $0x9;
	_ =	strace $0x80000048  }
0xb3: {  	_ =	swait.ge [sflag:s29], $0x1  }
0xb4: {  	[sflag:s29] =	ssyncadd.s32 $0xFFFFFFFF  }
0xb5: {  	_ =	strace $0x90000048  }
0xb6: {  	_ =	sfence  }
0xb7: {  	s30 =	sld [smem:$0x0];
	_ =	sdelay $0x2  }
0xb8: {  	s31 =	sshll.u32 s1, $0xD;
	s1 =	sshrl.u32 s1, $0x2  }
0xb9: {  	s3 =	sand.u32 $0x4000, s31;
	s1 =	sadd.s32 s1, s30  }
0xba: {  	s0 =	sor.u32 s3, s0;
	s1 =	sshll.u32 s1, $0x11  }
0xbb: {  	s0 =	sor.u32 s1, s0  }
0xbc: {  	s0 =	sadd.s32 $0x8F2B, s0  }
0xbd: {  	[sflag:s0] =	ssyncadd.remote.s32 $0x1  }
0xbe: {  	_ =	sfence.sel $0xFFFF  }
0xbf: {  	[dreg:$0x0] =	wrdreg $0xFFFFFFFF;
	(pc) =	sbr.abs _section_cstart, $3  }
0xc0: {  	[dreg:$0x1] =	wrdreg $0xFFFFFFFF  }
0xc1: {  	_ =	task.clear_ibuf [dreg:s7], $0x2FFFF;
	_ =	strace $0x9FFFFFFF  }
0xc2: {  	(tm) =	ssettm $0x7FFFFFFF  }
0xc3: {  	_ =	shalt  }
tec
execute0_lowered:
.L_overlay_start_1:
0x0: {  	(tag) =	ssettag $0x1  }
0x1: {  	s0 =	rddreg [dreg:$0x0]  }
0x2: {  	s2 =	rddreg [dreg:$0x1]  }
0x3: {  	s1 =	srdreg.scid;
	s4 =	stileid.u32  }
0x4: {  	s3 =	simm.s32 $0x0;
	s13 =	simm.s32 $0x3;
	s14 =	simm.s32 $0x80  }
0x5: {  	s15 =	simm.s32 $0x3400;
	s16 =	simm.s32 $0x7500;
	s17 =	simm.s32 $0x1  }
0x6: {  	s18 =	simm.s32 $0x3500;
	s19 =	simm.s32 $0x3480;
	s20 =	simm.s32 $0x5500  }
0x7: {  	s21 =	simm.s32 $0x2;
	s22 =	simm.s32 $0x0;
	s1 =	sand.u32 $0x1, s1  }
0x8: {  	s4 =	sshll.u32 s4, $0xA;
	s5 =	sshll.u32 s1, $0x9;
	s1 =	ssub.s32 $0x2, s1  }
0x9: {  	[smem:$0x7FF] =	sst s3;
	s4 =	sor.u32 s5, s4;
	s7 =	sshrl.u32 s1, $0x1  }
0xa: {  	s8 =	sadd.s32 $0x2933400, s0;
	s5 =	sshrl.u32 s4, $0x3;
	s1 =	ssub.s32 s1, s7  }
0xb: {  	s9 =	sadd.s32 $0x3ABF700, s0;
	s6 =	sadd.s32 s5, s0;
	s31 =	smax.u32 s1, $0x1  }
0xc: {  	_ =	strace $0x80000047;
	s6 =	sadd.s32 $0x600, s6;
	[dreg:$0x4] =	wrdreg s31  }
0xd: {  	s7 =	sadd.s32 $0x286FF00, s0;
	s5 =	sadd.s32 $0x27ACA00, s0;
	[dreg:$0x3] =	wrdreg s6  }
.LBB2_1:
0xe: {  	s0 =	rddreg [dreg:$0x3];
	s1 =	simm.s32 $0x200;
	s6 =	simm.s32 $0x4000  }
0xf: {  	[tilespmem:s3], [sflag:$0x3] =	stream.strided.gather [hbm4b:s0+s1], $0x3400, s6, s1, $0x38;
	[tilespmem:$0x9500] =	vst v63  }
0x10: {  	_ =	swait.ge [sflag:s13], $0x3400  }
0x11: {  	[sflag:s13] =	ssyncset.done $0x0  }
0x12: {  	s23 =	simm.s32 $0x0;
	[sflag:s13] =	ssyncadd.s32 $0xFFFFCC00  }
.LBB2_2:
0x13: {  	s24 =	sshll.u32 s23, $0x7  }
0x14: {  	v0 =	vld [tilespmem:s24+$0x0];
	_ =	sdelay $0x4  }
0x15: {  	vm0 =	vgt.s32 v0, $0x0  }
0x16: {  	v0 =	vnsel vm0, $0x0, v0  }
0x17: {  	v0 =	vmin.u32 v0, $0x1869F  }
0x18: {  	[tilespmem:$0x3400] =	vst v0  }
0x19: {  	v0 =	vld [tilespmem:s24+$0x10];
	_ =	sdelay $0x4  }
0x1a: {  	vm5 =	vgt.s32 v0, $0x0  }
0x1b: {  	v0 =	vnsel vm5, $0x0, v0  }
0x1c: {  	v0 =	vmin.u32 v0, $0x1869F  }
0x1d: {  	[tilespmem:$0x3410] =	vst v0  }
0x1e: {  	v0 =	vld [tilespmem:s24+$0x20];
	_ =	sdelay $0x4  }
0x1f: {  	vm6 =	vgt.s32 v0, $0x0  }
0x20: {  	v0 =	vnsel vm6, $0x0, v0  }
0x21: {  	v0 =	vmin.u32 v0, $0x1869F  }
0x22: {  	[tilespmem:$0x3420] =	vst v0  }
0x23: {  	v0 =	vld [tilespmem:s24+$0x30];
	_ =	sdelay $0x4  }
0x24: {  	vm7 =	vgt.s32 v0, $0x0  }
0x25: {  	v0 =	vnsel vm7, $0x0, v0  }
0x26: {  	v0 =	vmin.u32 v0, $0x1869F  }
0x27: {  	[tilespmem:$0x3430] =	vst v0  }
0x28: {  	v0 =	vld [tilespmem:s24+$0x40];
	_ =	sdelay $0x4  }
0x29: {  	vm8 =	vgt.s32 v0, $0x0  }
0x2a: {  	v0 =	vnsel vm8, $0x0, v0  }
0x2b: {  	v0 =	vmin.u32 v0, $0x1869F  }
0x2c: {  	[tilespmem:$0x3440] =	vst v0  }
0x2d: {  	v0 =	vld [tilespmem:s24+$0x50];
	_ =	sdelay $0x4  }
0x2e: {  	vm9 =	vgt.s32 v0, $0x0  }
0x2f: {  	v0 =	vnsel vm9, $0x0, v0  }
0x30: {  	v0 =	vmin.u32 v0, $0x1869F  }
0x31: {  	[tilespmem:$0x3450] =	vst v0  }
0x32: {  	v0 =	vld [tilespmem:s24+$0x60];
	_ =	sdelay $0x4  }
0x33: {  	vm10 =	vgt.s32 v0, $0x0  }
0x34: {  	v0 =	vnsel vm10, $0x0, v0  }
0x35: {  	v0 =	vmin.u32 v0, $0x1869F  }
0x36: {  	[tilespmem:$0x3460] =	vst v0  }
0x37: {  	v0 =	vld [tilespmem:s24+$0x70];
	_ =	sdelay $0x4  }
0x38: {  	vm11 =	vgt.s32 v0, $0x0  }
0x39: {  	v0 =	vnsel vm11, $0x0, v0  }
0x3a: {  	v0 =	vmin.u32 v0, $0x1869F  }
0x3b: {  	[tilespmem:$0x3470] =	vst v0  }
0x3c: {  	[tilespmem:s16], [sflag:$0x1] =	stream.indirect.gather [hbm4b:s5+s14], $0x40, s15, s14, $0xb8;
	[tilespmem:$0x9500] =	vst v63  }
0x3d: {  	_ =	swait.ge [sflag:s17], $0x2000  }
0x3e: {  	[sflag:s17] =	ssyncset.done $0x0  }
0x3f: {  	[sflag:s17] =	ssyncadd.s32 $0xFFFFE000  }
0x40: {  	v0 =	vld [tilespmem:s24+$0x200];
	_ =	sdelay $0x4  }
0x41: {  	vm12 =	vgt.s32 v0, $0x0  }
0x42: {  	v0 =	vnsel vm12, $0x0, v0  }
0x43: {  	v0 =	vmin.u32 v0, $0x1869F  }
0x44: {  	[tilespmem:$0x3400] =	vst v0  }
0x45: {  	v0 =	vld [tilespmem:s24+$0x210];
	_ =	sdelay $0x4  }
0x46: {  	vm13 =	vgt.s32 v0, $0x0  }
0x47: {  	v0 =	vnsel vm13, $0x0, v0  }
0x48: {  	v0 =	vmin.u32 v0, $0x1869F  }
0x49: {  	[tilespmem:$0x3410] =	vst v0  }
0x4a: {  	v0 =	vld [tilespmem:s24+$0x220];
	_ =	sdelay $0x4  }
0x4b: {  	vm14 =	vgt.s32 v0, $0x0  }
0x4c: {  	v0 =	vnsel vm14, $0x0, v0  }
0x4d: {  	v0 =	vmin.u32 v0, $0x1869F  }
0x4e: {  	[tilespmem:$0x3420] =	vst v0  }
0x4f: {  	v0 =	vld [tilespmem:s24+$0x230];
	_ =	sdelay $0x4  }
0x50: {  	vm15 =	vgt.s32 v0, $0x0  }
0x51: {  	v0 =	vnsel vm15, $0x0, v0  }
0x52: {  	v0 =	vmin.u32 v0, $0x1869F  }
0x53: {  	[tilespmem:$0x3430] =	vst v0  }
0x54: {  	v0 =	vld [tilespmem:s24+$0x240];
	_ =	sdelay $0x4  }
0x55: {  	vm4 =	vgt.s32 v0, $0x0  }
0x56: {  	v0 =	vnsel vm4, $0x0, v0  }
0x57: {  	v0 =	vmin.u32 v0, $0x1869F  }
0x58: {  	[tilespmem:$0x3440] =	vst v0  }
0x59: {  	v0 =	vld [tilespmem:s24+$0x250];
	_ =	sdelay $0x4  }
0x5a: {  	vm5 =	vgt.s32 v0, $0x0  }
0x5b: {  	v0 =	vnsel vm5, $0x0, v0  }
0x5c: {  	v0 =	vmin.u32 v0, $0x1869F  }
0x5d: {  	[tilespmem:$0x3450] =	vst v0  }
0x5e: {  	v0 =	vld [tilespmem:s24+$0x260];
	_ =	sdelay $0x4  }
0x5f: {  	vm6 =	vgt.s32 v0, $0x0  }
0x60: {  	v0 =	vnsel vm6, $0x0, v0  }
0x61: {  	v0 =	vmin.u32 v0, $0x1869F  }
0x62: {  	[tilespmem:$0x3460] =	vst v0  }
0x63: {  	v0 =	vld [tilespmem:s24+$0x270];
	_ =	sdelay $0x4  }
0x64: {  	vm7 =	vgt.s32 v0, $0x0  }
0x65: {  	v0 =	vnsel vm7, $0x0, v0  }
0x66: {  	v0 =	vmin.u32 v0, $0x1869F  }
0x67: {  	[tilespmem:$0x3470] =	vst v0  }
0x68: {  	[tilespmem:s18], [sflag:$0x1] =	stream.indirect.gather [hbm4b:s7+s14], $0x40, s15, s14, $0xb8;
	[tilespmem:$0x9500] =	vst v63  }
0x69: {  	v0 =	vld [tilespmem:s24+$0x400];
	_ =	sdelay $0x4  }
0x6a: {  	vm8 =	vgt.s32 v0, $0x0  }
0x6b: {  	v0 =	vnsel vm8, $0x0, v0  }
0x6c: {  	v0 =	vmin.u32 v0, $0x1869F  }
0x6d: {  	[tilespmem:$0x3480] =	vst v0  }
0x6e: {  	v0 =	vld [tilespmem:s24+$0x410];
	_ =	sdelay $0x4  }
0x6f: {  	vm9 =	vgt.s32 v0, $0x0  }
0x70: {  	v0 =	vnsel vm9, $0x0, v0  }
0x71: {  	v0 =	vmin.u32 v0, $0x1869F  }
0x72: {  	[tilespmem:$0x3490] =	vst v0  }
0x73: {  	v0 =	vld [tilespmem:s24+$0x420];
	_ =	sdelay $0x4  }
0x74: {  	vm10 =	vgt.s32 v0, $0x0  }
0x75: {  	v0 =	vnsel vm10, $0x0, v0  }
0x76: {  	v0 =	vmin.u32 v0, $0x1869F  }
0x77: {  	[tilespmem:$0x34A0] =	vst v0  }
0x78: {  	v0 =	vld [tilespmem:s24+$0x430];
	_ =	sdelay $0x4  }
0x79: {  	vm11 =	vgt.s32 v0, $0x0  }
0x7a: {  	v0 =	vnsel vm11, $0x0, v0  }
0x7b: {  	v0 =	vmin.u32 v0, $0x1869F  }
0x7c: {  	[tilespmem:$0x34B0] =	vst v0  }
0x7d: {  	v0 =	vld [tilespmem:s24+$0x440];
	_ =	sdelay $0x4  }
0x7e: {  	vm12 =	vgt.s32 v0, $0x0  }
0x7f: {  	v0 =	vnsel vm12, $0x0, v0  }
0x80: {  	v0 =	vmin.u32 v0, $0x1869F  }
0x81: {  	[tilespmem:$0x34C0] =	vst v0  }
0x82: {  	v0 =	vld [tilespmem:s24+$0x450];
	_ =	sdelay $0x4  }
0x83: {  	vm13 =	vgt.s32 v0, $0x0  }
0x84: {  	v0 =	vnsel vm13, $0x0, v0  }
0x85: {  	v0 =	vmin.u32 v0, $0x1869F  }
0x86: {  	[tilespmem:$0x34D0] =	vst v0  }
0x87: {  	v0 =	vld [tilespmem:s24+$0x460];
	_ =	sdelay $0x4  }
0x88: {  	vm14 =	vgt.s32 v0, $0x0  }
0x89: {  	v0 =	vnsel vm14, $0x0, v0  }
0x8a: {  	v0 =	vmin.u32 v0, $0x1869F  }
0x8b: {  	[tilespmem:$0x34E0] =	vst v0  }
0x8c: {  	v0 =	vld [tilespmem:s24+$0x470];
	_ =	sdelay $0x4  }
0x8d: {  	vm15 =	vgt.s32 v0, $0x0  }
0x8e: {  	v0 =	vnsel vm15, $0x0, v0  }
0x8f: {  	v0 =	vmin.u32 v0, $0x1869F  }
0x90: {  	[tilespmem:$0x34F0] =	vst v0  }
0x91: {  	[tilespmem:s20], [sflag:$0x2] =	stream.indirect.gather [hbm4b:s8+s14], $0x40, s19, s14, $0xb8;
	[tilespmem:$0x9500] =	vst v63  }
0x92: {  	_ =	swait.ge [sflag:s17], $0x2000  }
0x93: {  	[sflag:s17] =	ssyncset.done $0x0  }
0x94: {  	s11 =	simm.s32 $0x0;
	[sflag:s17] =	ssyncadd.s32 $0xFFFFE000  }
0x95: {  	v0 =	vld [tilespmem:s11+$0x3570]  }
0x96: {  	v1 =	vld [tilespmem:s11+$0x3500]  }
0x97: {  	v2 =	vld [tilespmem:s11+$0x3510]  }
0x98: {  	v3 =	vld [tilespmem:s11+$0x3520]  }
0x99: {  	v4 =	vld [tilespmem:s11+$0x3530]  }
0x9a: {  	v5 =	vld [tilespmem:s11+$0x3540]  }
0x9b: {  	v6 =	vld [tilespmem:s11+$0x3550]  }
0x9c: {  	[tilespmem:s11+$0x7570] =	vst.add.f32.msk $0xffff, v0  }
0x9d: {  	v0 =	vld [tilespmem:s11+$0x3560]  }
0x9e: {  	[tilespmem:s11+$0x7500] =	vst.add.f32.msk $0xffff, v1  }
0x9f: {  	[tilespmem:s11+$0x7510] =	vst.add.f32.msk $0xffff, v2  }
0xa0: {  	s1 =	simm.s32 $0x0;
	[tilespmem:s11+$0x7520] =	vst.add.f32.msk $0xffff, v3  }
0xa1: {  	s12 =	simm.s32 $0x0;
	s6 =	simm.s32 $0x200;
	s25 =	sor.u32 $0x10, s24;
	[tilespmem:s11+$0x7530] =	vst.add.f32.msk $0xffff, v4  }
0xa2: {  	s26 =	sor.u32 $0x20, s24;
	s28 =	sor.u32 $0x30, s24;
	s29 =	sor.u32 $0x40, s24;
	[tilespmem:s11+$0x7540] =	vst.add.f32.msk $0xffff, v5  }
0xa3: {  	s30 =	sor.u32 $0x50, s24;
	s31 =	sor.u32 $0x60, s24;
	s0 =	sor.u32 $0x70, s24;
	[tilespmem:s11+$0x7550] =	vst.add.f32.msk $0xffff, v6  }
.LBB2_3:
0xa4: {  	s12 =	sadd.s32 $0x2, s12;
	[tilespmem:s11+$0x7560] =	vst.add.f32.msk $0xffff, v0;
	s11 =	sshra.s32 s6, $0x2  }
0xa5: {  	v0 =	vld [tilespmem:s11+$0x3570];
	p0 =	slt.u32 s12, $0x7E  }
0xa6: {  	v1 =	vld [tilespmem:s11+$0x3500]  }
0xa7: {  	v2 =	vld [tilespmem:s11+$0x3510]  }
0xa8: {  	v3 =	vld [tilespmem:s11+$0x3520]  }
0xa9: {  	v4 =	vld [tilespmem:s11+$0x3530]  }
0xaa: {  	[tilespmem:s11+$0x7570] =	vst.add.f32.msk $0xffff, v0  }
0xab: {  	v5 =	vld [tilespmem:s11+$0x3540]  }
0xac: {  	v6 =	vld [tilespmem:s11+$0x3550]  }
0xad: {  	v0 =	vld [tilespmem:s11+$0x3560]  }
0xae: {  	[tilespmem:s11+$0x7500] =	vst.add.f32.msk $0xffff, v1  }
.Ltmp0:
0xaf: {  	[tilespmem:s11+$0x7510] =	vst.add.f32.msk $0xffff, v2;
	(pc) =	sbr.rel @p0 .LBB2_3-.Ltmp0, $4  }
0xb0: {  	[tilespmem:s11+$0x7520] =	vst.add.f32.msk $0xffff, v3  }
0xb1: {  	[tilespmem:s11+$0x7530] =	vst.add.f32.msk $0xffff, v4  }
0xb2: {  	[tilespmem:s11+$0x7540] =	vst.add.f32.msk $0xffff, v5  }
0xb3: {  	s6 =	sadd.s32 $0x200, s6;
	[tilespmem:s11+$0x7550] =	vst.add.f32.msk $0xffff, v6  }
0xb4: {  	[tilespmem:s11+$0x7560] =	vst.add.f32.msk $0xffff, v0  }
.LBB2_5:
0xb5: {  	s11 =	sshll.u32 s1, $0x1  }
0xb6: {  	s6 =	sadd.s32 $0x3, s11  }
0xb7: {  	s10 =	sshll.u32 s6, $0x9  }
0xb8: {  	s10 =	sand.u32 $0x3FFFFE00, s10  }
0xb9: {  	s12 =	sadd.s32 s24, s10  }
0xba: {  	v0 =	vld [tilespmem:s12+$0x0];
	_ =	sdelay $0x4  }
0xbb: {  	vm0 =	vgt.s32 v0, $0x0  }
0xbc: {  	v0 =	vnsel vm0, $0x0, v0  }
0xbd: {  	v0 =	vmin.u32 v0, $0x1869F  }
0xbe: {  	s12 =	sadd.s32 s25, s10;
	[tilespmem:$0x3400] =	vst v0  }
0xbf: {  	v0 =	vld [tilespmem:s12+$0x0];
	_ =	sdelay $0x4  }
0xc0: {  	vm9 =	vgt.s32 v0, $0x0  }
0xc1: {  	v0 =	vnsel vm9, $0x0, v0  }
0xc2: {  	v0 =	vmin.u32 v0, $0x1869F  }
0xc3: {  	s12 =	sadd.s32 s26, s10;
	[tilespmem:$0x3410] =	vst v0  }
0xc4: {  	v0 =	vld [tilespmem:s12+$0x0];
	_ =	sdelay $0x4  }
0xc5: {  	vm10 =	vgt.s32 v0, $0x0  }
0xc6: {  	v0 =	vnsel vm10, $0x0, v0  }
0xc7: {  	v0 =	vmin.u32 v0, $0x1869F  }
0xc8: {  	s12 =	sadd.s32 s28, s10;
	[tilespmem:$0x3420] =	vst v0  }
0xc9: {  	v0 =	vld [tilespmem:s12+$0x0];
	_ =	sdelay $0x4  }
0xca: {  	vm11 =	vgt.s32 v0, $0x0  }
0xcb: {  	v0 =	vnsel vm11, $0x0, v0  }
0xcc: {  	v0 =	vmin.u32 v0, $0x1869F  }
0xcd: {  	s12 =	sadd.s32 s29, s10;
	[tilespmem:$0x3430] =	vst v0  }
0xce: {  	v0 =	vld [tilespmem:s12+$0x0];
	_ =	sdelay $0x4  }
0xcf: {  	vm12 =	vgt.s32 v0, $0x0  }
0xd0: {  	v0 =	vnsel vm12, $0x0, v0  }
0xd1: {  	v0 =	vmin.u32 v0, $0x1869F  }
0xd2: {  	s12 =	sadd.s32 s30, s10;
	[tilespmem:$0x3440] =	vst v0  }
0xd3: {  	v0 =	vld [tilespmem:s12+$0x0];
	_ =	sdelay $0x4  }
0xd4: {  	vm13 =	vgt.s32 v0, $0x0  }
0xd5: {  	v0 =	vnsel vm13, $0x0, v0  }
0xd6: {  	v0 =	vmin.u32 v0, $0x1869F  }
0xd7: {  	s12 =	sadd.s32 s31, s10;
	[tilespmem:$0x3450] =	vst v0  }
0xd8: {  	v0 =	vld [tilespmem:s12+$0x0];
	_ =	sdelay $0x4  }
0xd9: {  	vm14 =	vgt.s32 v0, $0x0  }
0xda: {  	v0 =	vnsel vm14, $0x0, v0  }
0xdb: {  	v0 =	vmin.u32 v0, $0x1869F  }
0xdc: {  	s10 =	sadd.s32 s0, s10;
	[tilespmem:$0x3460] =	vst v0  }
0xdd: {  	v0 =	vld [tilespmem:s10+$0x0];
	_ =	sdelay $0x4  }
0xde: {  	vm15 =	vgt.s32 v0, $0x0  }
0xdf: {  	s6 =	smul.u32 $0xC3500, s6;
	v0 =	vnsel vm15, $0x0, v0  }
0xe0: {  	v0 =	vmin.u32 v0, $0x1869F  }
0xe1: {  	s6 =	sadd.s32 s5, s6;
	[tilespmem:$0x3470] =	vst v0  }
0xe2: {  	[tilespmem:s18], [sflag:$0x1] =	stream.indirect.gather [hbm4b:s6+s14], $0x40, s15, s14, $0xb8;
	[tilespmem:$0x9500] =	vst v63  }
0xe3: {  	_ =	swait.ge [sflag:s21], $0x2000  }
0xe4: {  	[sflag:s21] =	ssyncset.done $0x0  }
0xe5: {  	s12 =	simm.s32 $0x0;
	[sflag:s21] =	ssyncadd.s32 $0xFFFFE000  }
0xe6: {  	v0 =	vld [tilespmem:s12+$0x5570]  }
0xe7: {  	v1 =	vld [tilespmem:s12+$0x5500]  }
0xe8: {  	v2 =	vld [tilespmem:s12+$0x5510]  }
0xe9: {  	v3 =	vld [tilespmem:s12+$0x5520]  }
0xea: {  	v4 =	vld [tilespmem:s12+$0x5530]  }
0xeb: {  	v5 =	vld [tilespmem:s12+$0x5540]  }
0xec: {  	v6 =	vld [tilespmem:s12+$0x5550]  }
0xed: {  	[tilespmem:s12+$0x7570] =	vst.add.f32.msk $0xffff, v0  }
0xee: {  	v0 =	vld [tilespmem:s12+$0x5560]  }
0xef: {  	[tilespmem:s12+$0x7500] =	vst.add.f32.msk $0xffff, v1  }
0xf0: {  	[tilespmem:s12+$0x7510] =	vst.add.f32.msk $0xffff, v2  }
0xf1: {  	[tilespmem:s12+$0x7520] =	vst.add.f32.msk $0xffff, v3  }
0xf2: {  	[tilespmem:s12+$0x7530] =	vst.add.f32.msk $0xffff, v4  }
0xf3: {  	[tilespmem:s12+$0x7540] =	vst.add.f32.msk $0xffff, v5  }
0xf4: {  	s10 =	simm.s32 $0x200;
	s6 =	simm.s32 $0x0;
	[tilespmem:s12+$0x7550] =	vst.add.f32.msk $0xffff, v6  }
.LBB2_6:
0xf5: {  	s6 =	sadd.s32 $0x2, s6;
	[tilespmem:s12+$0x7560] =	vst.add.f32.msk $0xffff, v0;
	s12 =	sshra.s32 s10, $0x2  }
0xf6: {  	v0 =	vld [tilespmem:s12+$0x5570];
	p0 =	slt.u32 s6, $0x7E  }
0xf7: {  	v1 =	vld [tilespmem:s12+$0x5500]  }
0xf8: {  	v2 =	vld [tilespmem:s12+$0x5510]  }
0xf9: {  	v3 =	vld [tilespmem:s12+$0x5520]  }
0xfa: {  	v4 =	vld [tilespmem:s12+$0x5530]  }
0xfb: {  	[tilespmem:s12+$0x7570] =	vst.add.f32.msk $0xffff, v0  }
0xfc: {  	v5 =	vld [tilespmem:s12+$0x5540]  }
0xfd: {  	v6 =	vld [tilespmem:s12+$0x5550]  }
0xfe: {  	v0 =	vld [tilespmem:s12+$0x5560]  }
0xff: {  	[tilespmem:s12+$0x7500] =	vst.add.f32.msk $0xffff, v1  }
.Ltmp1:
0x100: {  	[tilespmem:s12+$0x7510] =	vst.add.f32.msk $0xffff, v2;
	(pc) =	sbr.rel @p0 .LBB2_6-.Ltmp1, $4  }
0x101: {  	[tilespmem:s12+$0x7520] =	vst.add.f32.msk $0xffff, v3  }
0x102: {  	[tilespmem:s12+$0x7530] =	vst.add.f32.msk $0xffff, v4  }
0x103: {  	[tilespmem:s12+$0x7540] =	vst.add.f32.msk $0xffff, v5  }
0x104: {  	s10 =	sadd.s32 $0x200, s10;
	[tilespmem:s12+$0x7550] =	vst.add.f32.msk $0xffff, v6  }
0x105: {  	s6 =	sadd.s32 $0x4, s11  }
0x106: {  	s10 =	sshll.u32 s6, $0x9  }
0x107: {  	s10 =	sand.u32 $0x3FFFFE00, s10  }
0x108: {  	[tilespmem:s12+$0x7560] =	vst.add.f32.msk $0xffff, v0;
	s12 =	sadd.s32 s24, s10  }
0x109: {  	v0 =	vld [tilespmem:s12+$0x0];
	_ =	sdelay $0x4  }
0x10a: {  	vm0 =	vgt.s32 v0, $0x0  }
0x10b: {  	v0 =	vnsel vm0, $0x0, v0  }
0x10c: {  	v0 =	vmin.u32 v0, $0x1869F  }
0x10d: {  	s12 =	sadd.s32 s25, s10;
	[tilespmem:$0x3480] =	vst v0  }
0x10e: {  	v0 =	vld [tilespmem:s12+$0x0];
	_ =	sdelay $0x4  }
0x10f: {  	vm9 =	vgt.s32 v0, $0x0  }
0x110: {  	v0 =	vnsel vm9, $0x0, v0  }
0x111: {  	v0 =	vmin.u32 v0, $0x1869F  }
0x112: {  	s12 =	sadd.s32 s26, s10;
	[tilespmem:$0x3490] =	vst v0  }
0x113: {  	v0 =	vld [tilespmem:s12+$0x0];
	_ =	sdelay $0x4  }
0x114: {  	vm10 =	vgt.s32 v0, $0x0  }
0x115: {  	v0 =	vnsel vm10, $0x0, v0  }
0x116: {  	v0 =	vmin.u32 v0, $0x1869F  }
0x117: {  	s12 =	sadd.s32 s28, s10;
	[tilespmem:$0x34A0] =	vst v0  }
0x118: {  	v0 =	vld [tilespmem:s12+$0x0];
	_ =	sdelay $0x4  }
0x119: {  	vm11 =	vgt.s32 v0, $0x0  }
0x11a: {  	v0 =	vnsel vm11, $0x0, v0  }
0x11b: {  	v0 =	vmin.u32 v0, $0x1869F  }
0x11c: {  	s12 =	sadd.s32 s29, s10;
	[tilespmem:$0x34B0] =	vst v0  }
0x11d: {  	v0 =	vld [tilespmem:s12+$0x0];
	_ =	sdelay $0x4  }
0x11e: {  	vm12 =	vgt.s32 v0, $0x0  }
0x11f: {  	v0 =	vnsel vm12, $0x0, v0  }
0x120: {  	v0 =	vmin.u32 v0, $0x1869F  }
0x121: {  	s12 =	sadd.s32 s30, s10;
	[tilespmem:$0x34C0] =	vst v0  }
0x122: {  	v0 =	vld [tilespmem:s12+$0x0];
	_ =	sdelay $0x4  }
0x123: {  	vm13 =	vgt.s32 v0, $0x0  }
0x124: {  	v0 =	vnsel vm13, $0x0, v0  }
0x125: {  	v0 =	vmin.u32 v0, $0x1869F  }
0x126: {  	s12 =	sadd.s32 s31, s10;
	[tilespmem:$0x34D0] =	vst v0  }
0x127: {  	v0 =	vld [tilespmem:s12+$0x0];
	_ =	sdelay $0x4  }
0x128: {  	vm14 =	vgt.s32 v0, $0x0  }
0x129: {  	v0 =	vnsel vm14, $0x0, v0  }
0x12a: {  	v0 =	vmin.u32 v0, $0x1869F  }
0x12b: {  	s10 =	sadd.s32 s0, s10;
	[tilespmem:$0x34E0] =	vst v0  }
0x12c: {  	v0 =	vld [tilespmem:s10+$0x0];
	_ =	sdelay $0x4  }
0x12d: {  	vm15 =	vgt.s32 v0, $0x0  }
0x12e: {  	s6 =	smul.u32 $0xC3500, s6;
	v0 =	vnsel vm15, $0x0, v0  }
0x12f: {  	v0 =	vmin.u32 v0, $0x1869F  }
0x130: {  	s6 =	sadd.s32 s5, s6;
	[tilespmem:$0x34F0] =	vst v0  }
0x131: {  	[tilespmem:s20], [sflag:$0x2] =	stream.indirect.gather [hbm4b:s6+s14], $0x40, s19, s14, $0xb8;
	[tilespmem:$0x9500] =	vst v63  }
0x132: {  	_ =	swait.ge [sflag:s17], $0x2000  }
0x133: {  	[sflag:s17] =	ssyncset.done $0x0  }
0x134: {  	s11 =	simm.s32 $0x0;
	[sflag:s17] =	ssyncadd.s32 $0xFFFFE000  }
0x135: {  	v0 =	vld [tilespmem:s11+$0x3570]  }
0x136: {  	v1 =	vld [tilespmem:s11+$0x3500]  }
0x137: {  	v2 =	vld [tilespmem:s11+$0x3510]  }
0x138: {  	v3 =	vld [tilespmem:s11+$0x3520]  }
0x139: {  	v4 =	vld [tilespmem:s11+$0x3530]  }
0x13a: {  	v5 =	vld [tilespmem:s11+$0x3540]  }
0x13b: {  	v6 =	vld [tilespmem:s11+$0x3550]  }
0x13c: {  	[tilespmem:s11+$0x7570] =	vst.add.f32.msk $0xffff, v0  }
0x13d: {  	v0 =	vld [tilespmem:s11+$0x3560]  }
0x13e: {  	[tilespmem:s11+$0x7500] =	vst.add.f32.msk $0xffff, v1  }
0x13f: {  	[tilespmem:s11+$0x7510] =	vst.add.f32.msk $0xffff, v2  }
0x140: {  	[tilespmem:s11+$0x7520] =	vst.add.f32.msk $0xffff, v3  }
0x141: {  	[tilespmem:s11+$0x7530] =	vst.add.f32.msk $0xffff, v4  }
0x142: {  	[tilespmem:s11+$0x7540] =	vst.add.f32.msk $0xffff, v5  }
0x143: {  	s10 =	simm.s32 $0x200;
	s6 =	simm.s32 $0x0;
	[tilespmem:s11+$0x7550] =	vst.add.f32.msk $0xffff, v6  }
.LBB2_8:
0x144: {  	s6 =	sadd.s32 $0x2, s6;
	[tilespmem:s11+$0x7560] =	vst.add.f32.msk $0xffff, v0;
	s11 =	sshra.s32 s10, $0x2  }
0x145: {  	v0 =	vld [tilespmem:s11+$0x3570];
	p0 =	slt.u32 s6, $0x7E  }
0x146: {  	v1 =	vld [tilespmem:s11+$0x3500]  }
0x147: {  	v2 =	vld [tilespmem:s11+$0x3510]  }
0x148: {  	v3 =	vld [tilespmem:s11+$0x3520]  }
0x149: {  	v4 =	vld [tilespmem:s11+$0x3530]  }
0x14a: {  	[tilespmem:s11+$0x7570] =	vst.add.f32.msk $0xffff, v0  }
0x14b: {  	v5 =	vld [tilespmem:s11+$0x3540]  }
0x14c: {  	v6 =	vld [tilespmem:s11+$0x3550]  }
0x14d: {  	v0 =	vld [tilespmem:s11+$0x3560]  }
0x14e: {  	[tilespmem:s11+$0x7500] =	vst.add.f32.msk $0xffff, v1  }
.Ltmp2:
0x14f: {  	[tilespmem:s11+$0x7510] =	vst.add.f32.msk $0xffff, v2;
	(pc) =	sbr.rel @p0 .LBB2_8-.Ltmp2, $4  }
0x150: {  	[tilespmem:s11+$0x7520] =	vst.add.f32.msk $0xffff, v3  }
0x151: {  	[tilespmem:s11+$0x7530] =	vst.add.f32.msk $0xffff, v4  }
0x152: {  	[tilespmem:s11+$0x7540] =	vst.add.f32.msk $0xffff, v5  }
0x153: {  	s10 =	sadd.s32 $0x200, s10;
	[tilespmem:s11+$0x7550] =	vst.add.f32.msk $0xffff, v6  }
0x154: {  	s1 =	sadd.s32 $0x1, s1  }
0x155: {  	p0 =	sne.s32 s1, $0xB  }
.Ltmp3:
0x156: {  	_ = 	snop;
	(pc) =	sbr.rel @p0 .LBB2_5-.Ltmp3, $2  }
0x157: {  	_ =	sdelay $0x2  }
0x158: {  	[tilespmem:s11+$0x7560] =	vst.add.f32.msk $0xffff, v0  }
0x159: {  	v0 =	vld [tilespmem:s24+$0x3200];
	_ =	sdelay $0x4  }
0x15a: {  	vm0 =	vgt.s32 v0, $0x0  }
0x15b: {  	v0 =	vnsel vm0, $0x0, v0  }
0x15c: {  	v0 =	vmin.u32 v0, $0x1869F  }
0x15d: {  	[tilespmem:$0x3400] =	vst v0  }
0x15e: {  	v0 =	vld [tilespmem:s24+$0x3210];
	_ =	sdelay $0x4  }
0x15f: {  	vm9 =	vgt.s32 v0, $0x0  }
0x160: {  	v0 =	vnsel vm9, $0x0, v0  }
0x161: {  	v0 =	vmin.u32 v0, $0x1869F  }
0x162: {  	[tilespmem:$0x3410] =	vst v0  }
0x163: {  	v0 =	vld [tilespmem:s24+$0x3220];
	_ =	sdelay $0x4  }
0x164: {  	vm10 =	vgt.s32 v0, $0x0  }
0x165: {  	v0 =	vnsel vm10, $0x0, v0  }
0x166: {  	v0 =	vmin.u32 v0, $0x1869F  }
0x167: {  	[tilespmem:$0x3420] =	vst v0  }
0x168: {  	v0 =	vld [tilespmem:s24+$0x3230];
	_ =	sdelay $0x4  }
0x169: {  	vm11 =	vgt.s32 v0, $0x0  }
0x16a: {  	v0 =	vnsel vm11, $0x0, v0  }
0x16b: {  	v0 =	vmin.u32 v0, $0x1869F  }
0x16c: {  	[tilespmem:$0x3430] =	vst v0  }
0x16d: {  	v0 =	vld [tilespmem:s24+$0x3240];
	_ =	sdelay $0x4  }
0x16e: {  	vm12 =	vgt.s32 v0, $0x0  }
0x16f: {  	v0 =	vnsel vm12, $0x0, v0  }
0x170: {  	v0 =	vmin.u32 v0, $0x1869F  }
0x171: {  	[tilespmem:$0x3440] =	vst v0  }
0x172: {  	v0 =	vld [tilespmem:s24+$0x3250];
	_ =	sdelay $0x4  }
0x173: {  	vm13 =	vgt.s32 v0, $0x0  }
0x174: {  	v0 =	vnsel vm13, $0x0, v0  }
0x175: {  	v0 =	vmin.u32 v0, $0x1869F  }
0x176: {  	[tilespmem:$0x3450] =	vst v0  }
0x177: {  	v0 =	vld [tilespmem:s24+$0x3260];
	_ =	sdelay $0x4  }
0x178: {  	vm14 =	vgt.s32 v0, $0x0  }
0x179: {  	v0 =	vnsel vm14, $0x0, v0  }
0x17a: {  	v0 =	vmin.u32 v0, $0x1869F  }
0x17b: {  	[tilespmem:$0x3460] =	vst v0  }
0x17c: {  	v0 =	vld [tilespmem:s24+$0x3270];
	_ =	sdelay $0x4  }
0x17d: {  	vm15 =	vgt.s32 v0, $0x0  }
0x17e: {  	v0 =	vnsel vm15, $0x0, v0  }
0x17f: {  	v0 =	vmin.u32 v0, $0x1869F  }
0x180: {  	[tilespmem:$0x3470] =	vst v0  }
0x181: {  	[tilespmem:s18], [sflag:$0x1] =	stream.indirect.gather [hbm4b:s9+s14], $0x40, s15, s14, $0xb8;
	[tilespmem:$0x9500] =	vst v63  }
0x182: {  	_ =	swait.ge [sflag:s21], $0x2000  }
0x183: {  	[sflag:s21] =	ssyncset.done $0x0  }
0x184: {  	s0 =	simm.s32 $0x0;
	[sflag:s21] =	ssyncadd.s32 $0xFFFFE000  }
0x185: {  	v0 =	vld [tilespmem:s0+$0x5570]  }
0x186: {  	v1 =	vld [tilespmem:s0+$0x5500]  }
0x187: {  	v2 =	vld [tilespmem:s0+$0x5510]  }
0x188: {  	v3 =	vld [tilespmem:s0+$0x5520]  }
0x189: {  	v4 =	vld [tilespmem:s0+$0x5530]  }
0x18a: {  	v5 =	vld [tilespmem:s0+$0x5540]  }
0x18b: {  	v6 =	vld [tilespmem:s0+$0x5550]  }
0x18c: {  	[tilespmem:s0+$0x7570] =	vst.add.f32.msk $0xffff, v0  }
0x18d: {  	v0 =	vld [tilespmem:s0+$0x5560]  }
0x18e: {  	[tilespmem:s0+$0x7500] =	vst.add.f32.msk $0xffff, v1  }
0x18f: {  	[tilespmem:s0+$0x7510] =	vst.add.f32.msk $0xffff, v2  }
0x190: {  	[tilespmem:s0+$0x7520] =	vst.add.f32.msk $0xffff, v3  }
0x191: {  	[tilespmem:s0+$0x7530] =	vst.add.f32.msk $0xffff, v4  }
0x192: {  	[tilespmem:s0+$0x7540] =	vst.add.f32.msk $0xffff, v5  }
0x193: {  	s1 =	simm.s32 $0x0;
	s6 =	simm.s32 $0x200;
	[tilespmem:s0+$0x7550] =	vst.add.f32.msk $0xffff, v6  }
.LBB2_11:
0x194: {  	s1 =	sadd.s32 $0x2, s1;
	[tilespmem:s0+$0x7560] =	vst.add.f32.msk $0xffff, v0;
	s0 =	sshra.s32 s6, $0x2  }
0x195: {  	v0 =	vld [tilespmem:s0+$0x5570];
	p0 =	slt.u32 s1, $0x7E  }
0x196: {  	v1 =	vld [tilespmem:s0+$0x5500]  }
0x197: {  	v2 =	vld [tilespmem:s0+$0x5510]  }
0x198: {  	v3 =	vld [tilespmem:s0+$0x5520]  }
0x199: {  	v4 =	vld [tilespmem:s0+$0x5530]  }
0x19a: {  	[tilespmem:s0+$0x7570] =	vst.add.f32.msk $0xffff, v0  }
0x19b: {  	v5 =	vld [tilespmem:s0+$0x5540]  }
0x19c: {  	v6 =	vld [tilespmem:s0+$0x5550]  }
0x19d: {  	v0 =	vld [tilespmem:s0+$0x5560]  }
0x19e: {  	[tilespmem:s0+$0x7500] =	vst.add.f32.msk $0xffff, v1  }
.Ltmp4:
0x19f: {  	[tilespmem:s0+$0x7510] =	vst.add.f32.msk $0xffff, v2;
	(pc) =	sbr.rel @p0 .LBB2_11-.Ltmp4, $4  }
0x1a0: {  	[tilespmem:s0+$0x7520] =	vst.add.f32.msk $0xffff, v3  }
0x1a1: {  	[tilespmem:s0+$0x7530] =	vst.add.f32.msk $0xffff, v4  }
0x1a2: {  	[tilespmem:s0+$0x7540] =	vst.add.f32.msk $0xffff, v5  }
0x1a3: {  	s6 =	sadd.s32 $0x200, s6;
	[tilespmem:s0+$0x7550] =	vst.add.f32.msk $0xffff, v6  }
0x1a4: {  	[tilespmem:s0+$0x7560] =	vst.add.f32.msk $0xffff, v0  }
0x1a5: {  	_ =	swait.ge [sflag:s17], $0x2000  }
0x1a6: {  	[sflag:s17] =	ssyncset.done $0x0  }
0x1a7: {  	s0 =	simm.s32 $0x0;
	[sflag:s17] =	ssyncadd.s32 $0xFFFFE000  }
0x1a8: {  	v0 =	vld [tilespmem:s0+$0x3570]  }
0x1a9: {  	v1 =	vld [tilespmem:s0+$0x3500]  }
0x1aa: {  	v2 =	vld [tilespmem:s0+$0x3510]  }
0x1ab: {  	v3 =	vld [tilespmem:s0+$0x3520]  }
0x1ac: {  	v4 =	vld [tilespmem:s0+$0x3530]  }
0x1ad: {  	v5 =	vld [tilespmem:s0+$0x3540]  }
0x1ae: {  	v6 =	vld [tilespmem:s0+$0x3550]  }
0x1af: {  	[tilespmem:s0+$0x7570] =	vst.add.f32.msk $0xffff, v0  }
0x1b0: {  	v0 =	vld [tilespmem:s0+$0x3560]  }
0x1b1: {  	[tilespmem:s0+$0x7500] =	vst.add.f32.msk $0xffff, v1  }
0x1b2: {  	[tilespmem:s0+$0x7510] =	vst.add.f32.msk $0xffff, v2  }
0x1b3: {  	[tilespmem:s0+$0x7520] =	vst.add.f32.msk $0xffff, v3  }
0x1b4: {  	[tilespmem:s0+$0x7530] =	vst.add.f32.msk $0xffff, v4  }
0x1b5: {  	[tilespmem:s0+$0x7540] =	vst.add.f32.msk $0xffff, v5  }
0x1b6: {  	s1 =	simm.s32 $0x0;
	s6 =	simm.s32 $0x200;
	[tilespmem:s0+$0x7550] =	vst.add.f32.msk $0xffff, v6  }
.LBB2_13:
0x1b7: {  	s1 =	sadd.s32 $0x2, s1;
	[tilespmem:s0+$0x7560] =	vst.add.f32.msk $0xffff, v0;
	s0 =	sshra.s32 s6, $0x2  }
0x1b8: {  	v0 =	vld [tilespmem:s0+$0x3570];
	p0 =	slt.u32 s1, $0x7E  }
0x1b9: {  	v1 =	vld [tilespmem:s0+$0x3500]  }
0x1ba: {  	v2 =	vld [tilespmem:s0+$0x3510]  }
0x1bb: {  	v3 =	vld [tilespmem:s0+$0x3520]  }
0x1bc: {  	v4 =	vld [tilespmem:s0+$0x3530]  }
0x1bd: {  	[tilespmem:s0+$0x7570] =	vst.add.f32.msk $0xffff, v0  }
0x1be: {  	v5 =	vld [tilespmem:s0+$0x3540]  }
0x1bf: {  	v6 =	vld [tilespmem:s0+$0x3550]  }
0x1c0: {  	v0 =	vld [tilespmem:s0+$0x3560]  }
0x1c1: {  	[tilespmem:s0+$0x7500] =	vst.add.f32.msk $0xffff, v1  }
.Ltmp5:
0x1c2: {  	[tilespmem:s0+$0x7510] =	vst.add.f32.msk $0xffff, v2;
	(pc) =	sbr.rel @p0 .LBB2_13-.Ltmp5, $4  }
0x1c3: {  	[tilespmem:s0+$0x7520] =	vst.add.f32.msk $0xffff, v3  }
0x1c4: {  	[tilespmem:s0+$0x7530] =	vst.add.f32.msk $0xffff, v4  }
0x1c5: {  	[tilespmem:s0+$0x7540] =	vst.add.f32.msk $0xffff, v5  }
0x1c6: {  	s6 =	sadd.s32 $0x200, s6;
	[tilespmem:s0+$0x7550] =	vst.add.f32.msk $0xffff, v6  }
0x1c7: {  	s1 =	sadd.s32 s4, s24;
	s23 =	sadd.s32 $0x1, s23  }
0x1c8: {  	s1 =	sshll.u32 s1, $0x3;
	p0 =	sne.s32 s23, $0x4  }
.Ltmp6:
0x1c9: {  	[tilespmem:s0+$0x7560] =	vst.add.f32.msk $0xffff, v0;
	s31 =	sadd.s32 s2, s1;
	(pc) =	sbr.rel @p0 .LBB2_2-.Ltmp6, $4  }
0x1ca: {  	[hbm4b:s31+s3] =	stream.linear.scatter [tilespmem:s16], [sflag:$0x3], $0x2000, $0x38;
	[tilespmem:$0x9500] =	vst v63  }
0x1cb: {  	_ =	swait.ge [sflag:s13], $0x2000  }
0x1cc: {  	[sflag:s13] =	ssyncset.done $0x0  }
0x1cd: {  	[sflag:s13] =	ssyncadd.s32 $0xFFFFE000  }
0x1ce: {  	s22 =	sadd.s32 $0x1, s22;
	s0 =	rddreg [dreg:$0x4]  }
0x1cf: {  	p0 =	sne.s32 s22, s0  }
.Ltmp7:
0x1d0: {  	_ = 	snop;
	(pc) =	sbr.rel @p0 .LBB2_1-.Ltmp7, $1  }
0x1d1: {  	_ =	sdelay $0x3  }
0x1d2: {  	_ =	sfence.sel $0x180000  }
0x1d3: {  	[bflag:$0x0] =	sbarrier.arrive $0xFFFF  }
0x1d4: {  	_ =	strace $0x90000047  }
0x1d5: {  	s0 =	stileid.u32;
	[bflag:$0x2] =	sbarrier.arrive $0xFFFF  }
0x1d6: {  	p0 =	sne.s32 s0, $0x0;
	s0 =	rddreg [dreg:$0x2]  }
0x1d7: {  	s0 =	sadd.s32 @!p0 $0x100000, s0  }
0x1d8: {  	[sflag:s0] =	ssyncadd.tile.s32 @!p0 $0x1;
	_ =	shalt  }
.Lfunc_end2:
_tile_overlayer_lowered:
.L_overlay_start_2:
0x1d9: {  	(tag) =	ssettag $0x2  }
0x1da: {  	s0 =	rddreg [dreg:$0x0];
	s2 =	stileid.u32  }
0x1db: {  	s1 =	rddreg [dreg:$0x1];
	p0 =	sne.s32 s2, $0x0  }
0x1dc: {  	s3 =	rddreg [dreg:$0x2];
	[bflag:$0x3] =	sbarrier.arrive $0xFFFF;
	s2 =	simm.s32 @!p0 $0x1C03  }
0x1dd: {  	[timem:s3], [sflag:s2] =	dma.local @!p0 [hbm:s0], s1  }
0x1de: {  	s0 =	simm.s32 @!p0 $0x3  }
0x1df: {  	_ =	swait.ge @!p0 [sflag:s0], s1  }
0x1e0: {  	s1 =	ssub.s32 @!p0 $0x0, s1;
	[sflag:s0] =	ssyncset.done @!p0 $0x0  }
0x1e1: {  	[sflag:s0] =	ssyncadd.s32 @!p0 s1  }
0x1e2: {  	[bflag:$0x3] =	sbarrier.arrive $0xFFFF  }
0x1e3: {  	_ =	shalt  }

</sc_bundles>
